<compile_context>
chip_gen: v7x
topology: tpu7x:2x2x1
jax: 0.10.2.dev20260603
libtpu: 0.0.44.dev20260713+nightly
codegen_flags: <defaults>
</compile_context>

<pallas_src>
import jax
import jax.numpy as jnp
from jax import lax
from jax.experimental import pallas as pl
from jax.experimental.pallas import tpu as pltpu
from jax.experimental.pallas import tpu_sc as plsc

_NUM_CLASSES = 10
_MAX_STEPS = 10
_T = 8388608
_NUM_STEPS = int(min(_MAX_STEPS, _T // 2))

_BIDX = (2022204, 2302723, 6800451, 5485289, 6417134,
         1160667, 5296668, 341701, 1583860)
_CM = (5, 2, 4, 2, 5, 4, 1, 8, 6, 5)

_NC, _NS, _L = 2, 16, 16
_NW = _NC * _NS
_SC_N = 2097152
_S_OFF = _T - _SC_N
_PW = _SC_N // _NW
_CH = 16384
_NCHUNK = _PW // _CH
_NPAIR = _NCHUNK // 2

_BS = 1048576
_TC_GRID = _S_OFF // _BS


def _sc_body(x_hbm, b_hbm, out_hbm,
             b_v, xb0, xb1, ob0, ob1, si0, si1, so0, so1):
    xbufs, obufs = (xb0, xb1), (ob0, ob1)
    sin, sout = (si0, si1), (so0, so1)
    wid = lax.axis_index("s") * _NC + lax.axis_index("c")
    base = _S_OFF + wid * _PW

    for b in range(2):
        pltpu.async_copy(x_hbm.at[pl.ds(base + b * _CH, _CH)], xbufs[b],
                         sin[b])

    pltpu.sync_copy(b_hbm, b_v)
    bvec = b_v[...]
    bs = [jnp.full((_L,), bvec[j], jnp.float32) for j in range(_NUM_STEPS - 1)]
    cms = [jnp.full((_L,), _CM[j], jnp.int32) for j in range(_NUM_STEPS)]

    def pair_body(p, _):
        for b in range(2):
            off = base + (2 * p + b) * _CH
            pltpu.make_async_copy(
                x_hbm.at[pl.ds(off, _CH)], xbufs[b], sin[b]).wait()

            @pl.when(p > 0)
            def _wait_out():
                pltpu.make_async_copy(
                    obufs[b], out_hbm.at[pl.ds(off - 2 * _CH - _S_OFF, _CH)],
                    sout[b]).wait()

            @plsc.parallel_loop(0, _CH, step=_L, unroll=8)
            def _vecs(i, b=b):
                x = xbufs[b][pl.ds(i, _L)]
                acc = cms[0]
                for j in range(_NUM_STEPS - 1):
                    acc = jnp.where(x > bs[j], cms[j + 1], acc)
                obufs[b][pl.ds(i, _L)] = acc

            pltpu.async_copy(obufs[b], out_hbm.at[pl.ds(off - _S_OFF, _CH)],
                             sout[b])

            @pl.when(p < _NPAIR - 1)
            def _issue_next():
                pltpu.async_copy(
                    x_hbm.at[pl.ds(off + 2 * _CH, _CH)], xbufs[b], sin[b])
        return 0

    lax.fori_loop(0, _NPAIR, pair_body, 0)
    for b in range(2):
        pltpu.make_async_copy(
            obufs[b],
            out_hbm.at[pl.ds(wid * _PW + (_NCHUNK - 2 + b) * _CH, _CH)],
            sout[b]).wait()


def _tc_body(b_s, x_ref, out_ref):
    x = x_ref[...]
    acc = jnp.full(x.shape, _CM[0], jnp.int32)
    for j in range(_NUM_STEPS - 1):
        acc = jnp.where(x > b_s[j], jnp.int32(_CM[j + 1]), acc)
    out_ref[...] = acc


def kernel(input):
    boundaries = jnp.sort(input[jnp.array(_BIDX, jnp.int32)])
    b16 = jnp.zeros((_L,), jnp.float32).at[: _NUM_STEPS - 1].set(boundaries)

    mesh = plsc.VectorSubcoreMesh(core_axis_name="c", subcore_axis_name="s")
    sc_run = pl.kernel(
        _sc_body,
        out_type=jax.ShapeDtypeStruct((_SC_N,), jnp.int32),
        mesh=mesh,
        scratch_types=[
            pltpu.VMEM((_L,), jnp.float32),
            pltpu.VMEM((_CH,), jnp.float32),
            pltpu.VMEM((_CH,), jnp.float32),
            pltpu.VMEM((_CH,), jnp.int32),
            pltpu.VMEM((_CH,), jnp.int32),
            pltpu.SemaphoreType.DMA,
            pltpu.SemaphoreType.DMA,
            pltpu.SemaphoreType.DMA,
            pltpu.SemaphoreType.DMA,
        ],
    )
    sc_out = sc_run(input, b16)

    tc_full = pl.pallas_call(
        _tc_body,
        grid=(_TC_GRID,),
        in_specs=[
            pl.BlockSpec(memory_space=pltpu.SMEM),
            pl.BlockSpec((_BS,), lambda i: (i,)),
        ],
        out_specs=pl.BlockSpec((_BS,), lambda i: (i,)),
        out_shape=jax.ShapeDtypeStruct((_T,), jnp.int32),
    )(b16, input)

    return lax.dynamic_update_slice(tc_full, sc_out, (_S_OFF,))

# --- scband reference (transcript-rebuilt; emitter-appended) ---
"""Pipeline reference for scband-piecewise-constant-assigner-64020782514546 (READ-ONLY COPY).

The authoritative reference and input builder live on the scoring server;
editing this copy changes nothing except your own understanding.
"""

import jax, jax.numpy as jnp
import numpy as np

NUM_CLASSES = 10
MAX_STEPS = 10
T = 8388608


def setup_inputs(seed: int = 0) -> dict:
    key = jax.random.key(seed)
    x = jax.random.normal(key, (T,), dtype=jnp.float32)
    return {"input": x}


def reference(input):
    T_ = input.shape[0]
    # Deterministic stand-in for np.random.randint(1, min(max_steps, T//2) + 1):
    # use the maximum number of steps so the workload is fixed and reproducible.
    num_steps = int(min(MAX_STEPS, T_ // 2))
    key = jax.random.key(42)
    k1, k2 = jax.random.split(key)
    boundary_indices = jax.random.randint(k1, (num_steps - 1,), 0, T_)
    boundaries = jnp.sort(input[boundary_indices])
    regions = jnp.searchsorted(boundaries, input)
    class_mapping = jax.random.randint(k2, (num_steps,), 0, NUM_CLASSES)
    return class_mapping[regions]

if __name__ == "__main__":
    import jax
    _d = setup_inputs()
    print(jax.jit(kernel)(*tuple(_d.values())))

</pallas_src>

<mosaic_0001>
#map = affine_map<(d0, d1) -> (0)>
module attributes {stable_mosaic.version = 14 : i64} {
  func.func @_sc_body(%arg0: i32, %arg1: i32, %arg2: memref<8388608xf32, #tpu.memory_space<hbm>>, %arg3: memref<16xf32, #tpu.memory_space<hbm>>, %arg4: memref<2097152xi32, #tpu.memory_space<hbm>>, %arg5: memref<16xf32, #tpu.memory_space<vmem>>, %arg6: memref<16384xf32, #tpu.memory_space<vmem>>, %arg7: memref<16384xf32, #tpu.memory_space<vmem>>, %arg8: memref<16384xi32, #tpu.memory_space<vmem>>, %arg9: memref<16384xi32, #tpu.memory_space<vmem>>, %arg10: memref<!tpu.dma_semaphore, #tpu.memory_space<semaphore_mem>>, %arg11: memref<!tpu.dma_semaphore, #tpu.memory_space<semaphore_mem>>, %arg12: memref<!tpu.dma_semaphore, #tpu.memory_space<semaphore_mem>>, %arg13: memref<!tpu.dma_semaphore, #tpu.memory_space<semaphore_mem>>) attributes {dimension_semantics = [#tpu.dimension_semantics<core_parallel>, #tpu.dimension_semantics<subcore_parallel>], iteration_bounds = array<i64: 2, 16>, scalar_prefetch = 0 : i64, scratch_operands = 9 : i64, tpu.core_type = #tpu.core_type<sc_vector_subcore>, window_params = [{transform_indices = #map}, {transform_indices = #map}, {transform_indices = #map}]} {
    %mul3A = arith.constant 2 : i32
    %mul3A_0 = arith.muli %arg1, %mul3A : i32
    %add3A = arith.addi %mul3A_0, %arg0 : i32
    %mul3A_1 = arith.constant 65536 : i32
    %mul3A_2 = arith.muli %add3A, %mul3A_1 : i32
    %add3A_3 = arith.constant 6291456 : i32
    %add3A_4 = arith.addi %add3A_3, %mul3A_2 : i32
    %add3A_5 = arith.constant 0 : i32
    %add3A_6 = arith.addi %add3A_4, %add3A_5 : i32
    %dma_start3A = tpu.memref_slice %arg2[%add3A_6] : memref<8388608xf32, #tpu.memory_space<hbm>> -> memref<16384xf32, #tpu.memory_space<hbm>>
    %dma_start3A_7 = tpu.memref_slice %arg2[%add3A_6] : memref<8388608xf32, #tpu.memory_space<hbm>> -> memref<16384xf32, #tpu.memory_space<hbm>>
    tpu.enqueue_dma source(%dma_start3A_7 : memref<16384xf32, #tpu.memory_space<hbm>>) target(%arg6 : memref<16384xf32, #tpu.memory_space<vmem>>) target_semaphore(%arg10 : memref<!tpu.dma_semaphore, #tpu.memory_space<semaphore_mem>>)
    %add3A_8 = arith.constant 16384 : i32
    %add3A_9 = arith.addi %add3A_4, %add3A_8 : i32
    %dma_start3A_10 = tpu.memref_slice %arg2[%add3A_9] : memref<8388608xf32, #tpu.memory_space<hbm>> -> memref<16384xf32, #tpu.memory_space<hbm>>
    %dma_start3A_11 = tpu.memref_slice %arg2[%add3A_9] : memref<8388608xf32, #tpu.memory_space<hbm>> -> memref<16384xf32, #tpu.memory_space<hbm>>
    tpu.enqueue_dma source(%dma_start3A_11 : memref<16384xf32, #tpu.memory_space<hbm>>) target(%arg7 : memref<16384xf32, #tpu.memory_space<vmem>>) target_semaphore(%arg11 : memref<!tpu.dma_semaphore, #tpu.memory_space<semaphore_mem>>)
    "tpu.region"() ({
      %run_scoped3A = tpu.sem_alloc : memref<!tpu.dma_semaphore, #tpu.memory_space<semaphore_mem>>
      tpu.enqueue_dma source(%arg3 : memref<16xf32, #tpu.memory_space<hbm>>) target(%arg5 : memref<16xf32, #tpu.memory_space<vmem>>) target_semaphore(%run_scoped3A : memref<!tpu.dma_semaphore, #tpu.memory_space<semaphore_mem>>)
      tpu.wait_dma2 semaphore(%run_scoped3A : memref<!tpu.dma_semaphore, #tpu.memory_space<semaphore_mem>>) src(%arg3 : memref<16xf32, #tpu.memory_space<hbm>>) dst(%arg5 : memref<16xf32, #tpu.memory_space<vmem>>)
      tpu.yield
    }) : () -> ()
    %get3A = arith.constant 0 : index
    %get3A_12 = tpu.vector_load %arg5[%get3A] {strides = array<i32>} : memref<16xf32, #tpu.memory_space<vmem>>, vector<16xf32>,
    %get3A_13 = vector.shape_cast %get3A_12 : vector<16xf32> to vector<16xf32>
    %slice3A = vector.extract_strided_slice %get3A_13 {offsets = [0], sizes = [1], strides = [1]} : vector<16xf32> to vector<1xf32>
    %squeeze3A = vector.extract %slice3A[0] : f32 from vector<1xf32>
    %broadcast_in_dim3A = vector.broadcast %squeeze3A : f32 to vector<16xf32>
    %slice3A_14 = vector.extract_strided_slice %get3A_13 {offsets = [1], sizes = [1], strides = [1]} : vector<16xf32> to vector<1xf32>
    %squeeze3A_15 = vector.extract %slice3A_14[0] : f32 from vector<1xf32>
    %broadcast_in_dim3A_16 = vector.broadcast %squeeze3A_15 : f32 to vector<16xf32>
    %slice3A_17 = vector.extract_strided_slice %get3A_13 {offsets = [2], sizes = [1], strides = [1]} : vector<16xf32> to vector<1xf32>
    %squeeze3A_18 = vector.extract %slice3A_17[0] : f32 from vector<1xf32>
    %broadcast_in_dim3A_19 = vector.broadcast %squeeze3A_18 : f32 to vector<16xf32>
    %slice3A_20 = vector.extract_strided_slice %get3A_13 {offsets = [3], sizes = [1], strides = [1]} : vector<16xf32> to vector<1xf32>
    %squeeze3A_21 = vector.extract %slice3A_20[0] : f32 from vector<1xf32>
    %broadcast_in_dim3A_22 = vector.broadcast %squeeze3A_21 : f32 to vector<16xf32>
    %slice3A_23 = vector.extract_strided_slice %get3A_13 {offsets = [4], sizes = [1], strides = [1]} : vector<16xf32> to vector<1xf32>
    %squeeze3A_24 = vector.extract %slice3A_23[0] : f32 from vector<1xf32>
    %broadcast_in_dim3A_25 = vector.broadcast %squeeze3A_24 : f32 to vector<16xf32>
    %slice3A_26 = vector.extract_strided_slice %get3A_13 {offsets = [5], sizes = [1], strides = [1]} : vector<16xf32> to vector<1xf32>
    %squeeze3A_27 = vector.extract %slice3A_26[0] : f32 from vector<1xf32>
    %broadcast_in_dim3A_28 = vector.broadcast %squeeze3A_27 : f32 to vector<16xf32>
    %slice3A_29 = vector.extract_strided_slice %get3A_13 {offsets = [6], sizes = [1], strides = [1]} : vector<16xf32> to vector<1xf32>
    %squeeze3A_30 = vector.extract %slice3A_29[0] : f32 from vector<1xf32>
    %broadcast_in_dim3A_31 = vector.broadcast %squeeze3A_30 : f32 to vector<16xf32>
    %slice3A_32 = vector.extract_strided_slice %get3A_13 {offsets = [7], sizes = [1], strides = [1]} : vector<16xf32> to vector<1xf32>
    %squeeze3A_33 = vector.extract %slice3A_32[0] : f32 from vector<1xf32>
    %broadcast_in_dim3A_34 = vector.broadcast %squeeze3A_33 : f32 to vector<16xf32>
    %slice3A_35 = vector.extract_strided_slice %get3A_13 {offsets = [8], sizes = [1], strides = [1]} : vector<16xf32> to vector<1xf32>
    %squeeze3A_36 = vector.extract %slice3A_35[0] : f32 from vector<1xf32>
    %broadcast_in_dim3A_37 = vector.broadcast %squeeze3A_36 : f32 to vector<16xf32>
    %broadcast_in_dim3A_38 = arith.constant 5 : i32
    %broadcast_in_dim3A_39 = vector.broadcast %broadcast_in_dim3A_38 : i32 to vector<16xi32>
    %broadcast_in_dim3A_40 = arith.constant 2 : i32
    %broadcast_in_dim3A_41 = vector.broadcast %broadcast_in_dim3A_40 : i32 to vector<16xi32>
    %broadcast_in_dim3A_42 = arith.constant 4 : i32
    %broadcast_in_dim3A_43 = vector.broadcast %broadcast_in_dim3A_42 : i32 to vector<16xi32>
    %broadcast_in_dim3A_44 = arith.constant 2 : i32
    %broadcast_in_dim3A_45 = vector.broadcast %broadcast_in_dim3A_44 : i32 to vector<16xi32>
    %broadcast_in_dim3A_46 = arith.constant 5 : i32
    %broadcast_in_dim3A_47 = vector.broadcast %broadcast_in_dim3A_46 : i32 to vector<16xi32>
    %broadcast_in_dim3A_48 = arith.constant 4 : i32
    %broadcast_in_dim3A_49 = vector.broadcast %broadcast_in_dim3A_48 : i32 to vector<16xi32>
    %broadcast_in_dim3A_50 = arith.constant 1 : i32
    %broadcast_in_dim3A_51 = vector.broadcast %broadcast_in_dim3A_50 : i32 to vector<16xi32>
    %broadcast_in_dim3A_52 = arith.constant 8 : i32
    %broadcast_in_dim3A_53 = vector.broadcast %broadcast_in_dim3A_52 : i32 to vector<16xi32>
    %broadcast_in_dim3A_54 = arith.constant 6 : i32
    %broadcast_in_dim3A_55 = vector.broadcast %broadcast_in_dim3A_54 : i32 to vector<16xi32>
    %broadcast_in_dim3A_56 = arith.constant 5 : i32
    %broadcast_in_dim3A_57 = vector.broadcast %broadcast_in_dim3A_56 : i32 to vector<16xi32>
    %scan3A = arith.constant 0 : i32
    %scan3A_58 = arith.constant 0 : i32
    %scan3A_59 = arith.constant 2 : i32
    %scan3A_60 = arith.addi %scan3A_58, %scan3A_59 : i32
    %scan3A_61 = arith.constant 1 : i32
    %scan3A_62 = scf.for %scan3A_75 = %scan3A_58 to %scan3A_60 step %scan3A_61 iter_args(%scan3A_76 = %scan3A) -> (i32)  : i32 {
      %mul3A_77 = arith.constant 2 : i32
      %mul3A_78 = arith.muli %mul3A_77, %scan3A_75 : i32
      %add3A_79 = arith.constant 0 : i32
      %add3A_80 = arith.addi %mul3A_78, %add3A_79 : i32
      %mul3A_81 = arith.constant 16384 : i32
      %mul3A_82 = arith.muli %add3A_80, %mul3A_81 : i32
      %add3A_83 = arith.addi %add3A_4, %mul3A_82 : i32
      %dma_wait3A_84 = tpu.memref_slice %arg2[%add3A_83] : memref<8388608xf32, #tpu.memory_space<hbm>> -> memref<16384xf32, #tpu.memory_space<hbm>>
      %dma_wait3A_85 = tpu.memref_slice %arg2[%add3A_83] : memref<8388608xf32, #tpu.memory_space<hbm>> -> memref<16384xf32, #tpu.memory_space<hbm>>
      tpu.wait_dma2 semaphore(%arg10 : memref<!tpu.dma_semaphore, #tpu.memory_space<semaphore_mem>>) src(%dma_wait3A_85 : memref<16384xf32, #tpu.memory_space<hbm>>) dst(%arg6 : memref<16384xf32, #tpu.memory_space<vmem>>)
      %gt3A = arith.constant 0 : i32
      %gt3A_86 = arith.cmpi sgt, %scan3A_75, %gt3A : i32
      %convert_element_type3A = arith.extui %gt3A_86 : i1 to i32
      %cond3A = arith.constant 0 : i32
      %cond3A_87 = arith.cmpi ne, %convert_element_type3A, %cond3A : i32
      scf.if %cond3A_87 {
        %sub3A_124 = arith.constant 32768 : i32
        %sub3A_125 = arith.subi %add3A_83, %sub3A_124 : i32
        %sub3A_126 = arith.constant 6291456 : i32
        %sub3A_127 = arith.subi %sub3A_125, %sub3A_126 : i32
        %dma_wait3A_128 = tpu.memref_slice %arg4[%sub3A_127] : memref<2097152xi32, #tpu.memory_space<hbm>> -> memref<16384xi32, #tpu.memory_space<hbm>>
        %dma_wait3A_129 = tpu.memref_slice %arg4[%sub3A_127] : memref<2097152xi32, #tpu.memory_space<hbm>> -> memref<16384xi32, #tpu.memory_space<hbm>>
        tpu.wait_dma2 semaphore(%arg12 : memref<!tpu.dma_semaphore, #tpu.memory_space<semaphore_mem>>) src(%arg8 : memref<16384xi32, #tpu.memory_space<vmem>>) dst(%dma_wait3A_129 : memref<16384xi32, #tpu.memory_space<hbm>>)
      } else {
      }
      %parallel_loop3A = arith.constant 0 : i32
      %parallel_loop3A_88 = arith.constant 16384 : i32
      %parallel_loop3A_89 = arith.constant 16 : i32
      scf.for %parallel_loop3A_124 = %parallel_loop3A to %parallel_loop3A_88 step %parallel_loop3A_89  : i32 {
        %parallel_loop3A_125 = arith.index_cast %parallel_loop3A_124 : i32 to index
        %parallel_loop3A_126 = tpu.vector_load %arg6[%parallel_loop3A_125] {strides = array<i32>} : memref<16384xf32, #tpu.memory_space<vmem>>, vector<16xf32>,
        %parallel_loop3A_127 = vector.shape_cast %parallel_loop3A_126 : vector<16xf32> to vector<16xf32>
        %parallel_loop3A_128 = arith.cmpf ogt, %parallel_loop3A_127, %broadcast_in_dim3A : vector<16xf32>
        %parallel_loop3A_129 = arith.select %parallel_loop3A_128, %broadcast_in_dim3A_41, %broadcast_in_dim3A_39 : vector<16xi1>, vector<16xi32>
        %parallel_loop3A_130 = arith.cmpf ogt, %parallel_loop3A_127, %broadcast_in_dim3A_16 : vector<16xf32>
        %parallel_loop3A_131 = arith.select %parallel_loop3A_130, %broadcast_in_dim3A_43, %parallel_loop3A_129 : vector<16xi1>, vector<16xi32>
        %parallel_loop3A_132 = arith.cmpf ogt, %parallel_loop3A_127, %broadcast_in_dim3A_19 : vector<16xf32>
        %parallel_loop3A_133 = arith.select %parallel_loop3A_132, %broadcast_in_dim3A_45, %parallel_loop3A_131 : vector<16xi1>, vector<16xi32>
        %parallel_loop3A_134 = arith.cmpf ogt, %parallel_loop3A_127, %broadcast_in_dim3A_22 : vector<16xf32>
        %parallel_loop3A_135 = arith.select %parallel_loop3A_134, %broadcast_in_dim3A_47, %parallel_loop3A_133 : vector<16xi1>, vector<16xi32>
        %parallel_loop3A_136 = arith.cmpf ogt, %parallel_loop3A_127, %broadcast_in_dim3A_25 : vector<16xf32>
        %parallel_loop3A_137 = arith.select %parallel_loop3A_136, %broadcast_in_dim3A_49, %parallel_loop3A_135 : vector<16xi1>, vector<16xi32>
        %parallel_loop3A_138 = arith.cmpf ogt, %parallel_loop3A_127, %broadcast_in_dim3A_28 : vector<16xf32>
        %parallel_loop3A_139 = arith.select %parallel_loop3A_138, %broadcast_in_dim3A_51, %parallel_loop3A_137 : vector<16xi1>, vector<16xi32>
        %parallel_loop3A_140 = arith.cmpf ogt, %parallel_loop3A_127, %broadcast_in_dim3A_31 : vector<16xf32>
        %parallel_loop3A_141 = arith.select %parallel_loop3A_140, %broadcast_in_dim3A_53, %parallel_loop3A_139 : vector<16xi1>, vector<16xi32>
        %parallel_loop3A_142 = arith.cmpf ogt, %parallel_loop3A_127, %broadcast_in_dim3A_34 : vector<16xf32>
        %parallel_loop3A_143 = arith.select %parallel_loop3A_142, %broadcast_in_dim3A_55, %parallel_loop3A_141 : vector<16xi1>, vector<16xi32>
        %parallel_loop3A_144 = arith.cmpf ogt, %parallel_loop3A_127, %broadcast_in_dim3A_37 : vector<16xf32>
        %parallel_loop3A_145 = arith.select %parallel_loop3A_144, %broadcast_in_dim3A_57, %parallel_loop3A_143 : vector<16xi1>, vector<16xi32>
        %parallel_loop3A_146 = arith.index_cast %parallel_loop3A_124 : i32 to index
        %parallel_loop3A_147 = tpu.vector_load %arg8[%parallel_loop3A_146] {strides = array<i32>} : memref<16384xi32, #tpu.memory_space<vmem>>, vector<16xi32>,
        %parallel_loop3A_148 = vector.shape_cast %parallel_loop3A_147 : vector<16xi32> to vector<16xi32>
        %parallel_loop3A_149 = vector.shape_cast %parallel_loop3A_145 : vector<16xi32> to vector<16xi32>
        tpu.vector_store %arg8[%parallel_loop3A_146], %parallel_loop3A_149 {strides = array<i32>} : memref<16384xi32, #tpu.memory_space<vmem>>, vector<16xi32>,
      } {sc.loop_unroll_factor = 8 : i64, sc.parallel_access}
      %sub3A = arith.constant 6291456 : i32
      %sub3A_90 = arith.subi %add3A_83, %sub3A : i32
      %dma_start3A_91 = tpu.memref_slice %arg4[%sub3A_90] : memref<2097152xi32, #tpu.memory_space<hbm>> -> memref<16384xi32, #tpu.memory_space<hbm>>
      %dma_start3A_92 = tpu.memref_slice %arg4[%sub3A_90] : memref<2097152xi32, #tpu.memory_space<hbm>> -> memref<16384xi32, #tpu.memory_space<hbm>>
      tpu.enqueue_dma source(%arg8 : memref<16384xi32, #tpu.memory_space<vmem>>) target(%dma_start3A_92 : memref<16384xi32, #tpu.memory_space<hbm>>) target_semaphore(%arg12 : memref<!tpu.dma_semaphore, #tpu.memory_space<semaphore_mem>>)
      %lt3A = arith.constant 1 : i32
      %lt3A_93 = arith.cmpi slt, %scan3A_75, %lt3A : i32
      %convert_element_type3A_94 = arith.extui %lt3A_93 : i1 to i32
      %cond3A_95 = arith.constant 0 : i32
      %cond3A_96 = arith.cmpi ne, %convert_element_type3A_94, %cond3A_95 : i32
      scf.if %cond3A_96 {
        %add3A_124 = arith.constant 32768 : i32
        %add3A_125 = arith.addi %add3A_83, %add3A_124 : i32
        %dma_start3A_126 = tpu.memref_slice %arg2[%add3A_125] : memref<8388608xf32, #tpu.memory_space<hbm>> -> memref<16384xf32, #tpu.memory_space<hbm>>
        %dma_start3A_127 = tpu.memref_slice %arg2[%add3A_125] : memref<8388608xf32, #tpu.memory_space<hbm>> -> memref<16384xf32, #tpu.memory_space<hbm>>
        tpu.enqueue_dma source(%dma_start3A_127 : memref<16384xf32, #tpu.memory_space<hbm>>) target(%arg6 : memref<16384xf32, #tpu.memory_space<vmem>>) target_semaphore(%arg10 : memref<!tpu.dma_semaphore, #tpu.memory_space<semaphore_mem>>)
      } else {
      }
      %mul3A_97 = arith.constant 2 : i32
      %mul3A_98 = arith.muli %mul3A_97, %scan3A_75 : i32
      %add3A_99 = arith.constant 1 : i32
      %add3A_100 = arith.addi %mul3A_98, %add3A_99 : i32
      %mul3A_101 = arith.constant 16384 : i32
      %mul3A_102 = arith.muli %add3A_100, %mul3A_101 : i32
      %add3A_103 = arith.addi %add3A_4, %mul3A_102 : i32
      %dma_wait3A_104 = tpu.memref_slice %arg2[%add3A_103] : memref<8388608xf32, #tpu.memory_space<hbm>> -> memref<16384xf32, #tpu.memory_space<hbm>>
      %dma_wait3A_105 = tpu.memref_slice %arg2[%add3A_103] : memref<8388608xf32, #tpu.memory_space<hbm>> -> memref<16384xf32, #tpu.memory_space<hbm>>
      tpu.wait_dma2 semaphore(%arg11 : memref<!tpu.dma_semaphore, #tpu.memory_space<semaphore_mem>>) src(%dma_wait3A_105 : memref<16384xf32, #tpu.memory_space<hbm>>) dst(%arg7 : memref<16384xf32, #tpu.memory_space<vmem>>)
      %gt3A_106 = arith.constant 0 : i32
      %gt3A_107 = arith.cmpi sgt, %scan3A_75, %gt3A_106 : i32
      %convert_element_type3A_108 = arith.extui %gt3A_107 : i1 to i32
      %cond3A_109 = arith.constant 0 : i32
      %cond3A_110 = arith.cmpi ne, %convert_element_type3A_108, %cond3A_109 : i32
      scf.if %cond3A_110 {
        %sub3A_124 = arith.constant 32768 : i32
        %sub3A_125 = arith.subi %add3A_103, %sub3A_124 : i32
        %sub3A_126 = arith.constant 6291456 : i32
        %sub3A_127 = arith.subi %sub3A_125, %sub3A_126 : i32
        %dma_wait3A_128 = tpu.memref_slice %arg4[%sub3A_127] : memref<2097152xi32, #tpu.memory_space<hbm>> -> memref<16384xi32, #tpu.memory_space<hbm>>
        %dma_wait3A_129 = tpu.memref_slice %arg4[%sub3A_127] : memref<2097152xi32, #tpu.memory_space<hbm>> -> memref<16384xi32, #tpu.memory_space<hbm>>
        tpu.wait_dma2 semaphore(%arg13 : memref<!tpu.dma_semaphore, #tpu.memory_space<semaphore_mem>>) src(%arg9 : memref<16384xi32, #tpu.memory_space<vmem>>) dst(%dma_wait3A_129 : memref<16384xi32, #tpu.memory_space<hbm>>)
      } else {
      }
      %parallel_loop3A_111 = arith.constant 0 : i32
      %parallel_loop3A_112 = arith.constant 16384 : i32
      %parallel_loop3A_113 = arith.constant 16 : i32
      scf.for %parallel_loop3A_124 = %parallel_loop3A_111 to %parallel_loop3A_112 step %parallel_loop3A_113  : i32 {
        %parallel_loop3A_125 = arith.index_cast %parallel_loop3A_124 : i32 to index
        %parallel_loop3A_126 = tpu.vector_load %arg7[%parallel_loop3A_125] {strides = array<i32>} : memref<16384xf32, #tpu.memory_space<vmem>>, vector<16xf32>,
        %parallel_loop3A_127 = vector.shape_cast %parallel_loop3A_126 : vector<16xf32> to vector<16xf32>
        %parallel_loop3A_128 = arith.cmpf ogt, %parallel_loop3A_127, %broadcast_in_dim3A : vector<16xf32>
        %parallel_loop3A_129 = arith.select %parallel_loop3A_128, %broadcast_in_dim3A_41, %broadcast_in_dim3A_39 : vector<16xi1>, vector<16xi32>
        %parallel_loop3A_130 = arith.cmpf ogt, %parallel_loop3A_127, %broadcast_in_dim3A_16 : vector<16xf32>
        %parallel_loop3A_131 = arith.select %parallel_loop3A_130, %broadcast_in_dim3A_43, %parallel_loop3A_129 : vector<16xi1>, vector<16xi32>
        %parallel_loop3A_132 = arith.cmpf ogt, %parallel_loop3A_127, %broadcast_in_dim3A_19 : vector<16xf32>
        %parallel_loop3A_133 = arith.select %parallel_loop3A_132, %broadcast_in_dim3A_45, %parallel_loop3A_131 : vector<16xi1>, vector<16xi32>
        %parallel_loop3A_134 = arith.cmpf ogt, %parallel_loop3A_127, %broadcast_in_dim3A_22 : vector<16xf32>
        %parallel_loop3A_135 = arith.select %parallel_loop3A_134, %broadcast_in_dim3A_47, %parallel_loop3A_133 : vector<16xi1>, vector<16xi32>
        %parallel_loop3A_136 = arith.cmpf ogt, %parallel_loop3A_127, %broadcast_in_dim3A_25 : vector<16xf32>
        %parallel_loop3A_137 = arith.select %parallel_loop3A_136, %broadcast_in_dim3A_49, %parallel_loop3A_135 : vector<16xi1>, vector<16xi32>
        %parallel_loop3A_138 = arith.cmpf ogt, %parallel_loop3A_127, %broadcast_in_dim3A_28 : vector<16xf32>
        %parallel_loop3A_139 = arith.select %parallel_loop3A_138, %broadcast_in_dim3A_51, %parallel_loop3A_137 : vector<16xi1>, vector<16xi32>
        %parallel_loop3A_140 = arith.cmpf ogt, %parallel_loop3A_127, %broadcast_in_dim3A_31 : vector<16xf32>
        %parallel_loop3A_141 = arith.select %parallel_loop3A_140, %broadcast_in_dim3A_53, %parallel_loop3A_139 : vector<16xi1>, vector<16xi32>
        %parallel_loop3A_142 = arith.cmpf ogt, %parallel_loop3A_127, %broadcast_in_dim3A_34 : vector<16xf32>
        %parallel_loop3A_143 = arith.select %parallel_loop3A_142, %broadcast_in_dim3A_55, %parallel_loop3A_141 : vector<16xi1>, vector<16xi32>
        %parallel_loop3A_144 = arith.cmpf ogt, %parallel_loop3A_127, %broadcast_in_dim3A_37 : vector<16xf32>
        %parallel_loop3A_145 = arith.select %parallel_loop3A_144, %broadcast_in_dim3A_57, %parallel_loop3A_143 : vector<16xi1>, vector<16xi32>
        %parallel_loop3A_146 = arith.index_cast %parallel_loop3A_124 : i32 to index
        %parallel_loop3A_147 = tpu.vector_load %arg9[%parallel_loop3A_146] {strides = array<i32>} : memref<16384xi32, #tpu.memory_space<vmem>>, vector<16xi32>,
        %parallel_loop3A_148 = vector.shape_cast %parallel_loop3A_147 : vector<16xi32> to vector<16xi32>
        %parallel_loop3A_149 = vector.shape_cast %parallel_loop3A_145 : vector<16xi32> to vector<16xi32>
        tpu.vector_store %arg9[%parallel_loop3A_146], %parallel_loop3A_149 {strides = array<i32>} : memref<16384xi32, #tpu.memory_space<vmem>>, vector<16xi32>,
      } {sc.loop_unroll_factor = 8 : i64, sc.parallel_access}
      %sub3A_114 = arith.constant 6291456 : i32
      %sub3A_115 = arith.subi %add3A_103, %sub3A_114 : i32
      %dma_start3A_116 = tpu.memref_slice %arg4[%sub3A_115] : memref<2097152xi32, #tpu.memory_space<hbm>> -> memref<16384xi32, #tpu.memory_space<hbm>>
      %dma_start3A_117 = tpu.memref_slice %arg4[%sub3A_115] : memref<2097152xi32, #tpu.memory_space<hbm>> -> memref<16384xi32, #tpu.memory_space<hbm>>
      tpu.enqueue_dma source(%arg9 : memref<16384xi32, #tpu.memory_space<vmem>>) target(%dma_start3A_117 : memref<16384xi32, #tpu.memory_space<hbm>>) target_semaphore(%arg13 : memref<!tpu.dma_semaphore, #tpu.memory_space<semaphore_mem>>)
      %lt3A_118 = arith.constant 1 : i32
      %lt3A_119 = arith.cmpi slt, %scan3A_75, %lt3A_118 : i32
      %convert_element_type3A_120 = arith.extui %lt3A_119 : i1 to i32
      %cond3A_121 = arith.constant 0 : i32
      %cond3A_122 = arith.cmpi ne, %convert_element_type3A_120, %cond3A_121 : i32
      scf.if %cond3A_122 {
        %add3A_124 = arith.constant 32768 : i32
        %add3A_125 = arith.addi %add3A_103, %add3A_124 : i32
        %dma_start3A_126 = tpu.memref_slice %arg2[%add3A_125] : memref<8388608xf32, #tpu.memory_space<hbm>> -> memref<16384xf32, #tpu.memory_space<hbm>>
        %dma_start3A_127 = tpu.memref_slice %arg2[%add3A_125] : memref<8388608xf32, #tpu.memory_space<hbm>> -> memref<16384xf32, #tpu.memory_space<hbm>>
        tpu.enqueue_dma source(%dma_start3A_127 : memref<16384xf32, #tpu.memory_space<hbm>>) target(%arg7 : memref<16384xf32, #tpu.memory_space<vmem>>) target_semaphore(%arg11 : memref<!tpu.dma_semaphore, #tpu.memory_space<semaphore_mem>>)
      } else {
      }
      %scan3A_123 = arith.constant 0 : i32
      scf.yield %scan3A_123 : i32
    }
    %scan3A_63 = arith.constant 2 : i32
    %mul3A_64 = arith.constant 65536 : i32
    %mul3A_65 = arith.muli %add3A, %mul3A_64 : i32
    %add3A_66 = arith.constant 32768 : i32
    %add3A_67 = arith.addi %mul3A_65, %add3A_66 : i32
    %dma_wait3A = tpu.memref_slice %arg4[%add3A_67] : memref<2097152xi32, #tpu.memory_space<hbm>> -> memref<16384xi32, #tpu.memory_space<hbm>>
    %dma_wait3A_68 = tpu.memref_slice %arg4[%add3A_67] : memref<2097152xi32, #tpu.memory_space<hbm>> -> memref<16384xi32, #tpu.memory_space<hbm>>
    tpu.wait_dma2 semaphore(%arg12 : memref<!tpu.dma_semaphore, #tpu.memory_space<semaphore_mem>>) src(%arg8 : memref<16384xi32, #tpu.memory_space<vmem>>) dst(%dma_wait3A_68 : memref<16384xi32, #tpu.memory_space<hbm>>)
    %mul3A_69 = arith.constant 65536 : i32
    %mul3A_70 = arith.muli %add3A, %mul3A_69 : i32
    %add3A_71 = arith.constant 49152 : i32
    %add3A_72 = arith.addi %mul3A_70, %add3A_71 : i32
    %dma_wait3A_73 = tpu.memref_slice %arg4[%add3A_72] : memref<2097152xi32, #tpu.memory_space<hbm>> -> memref<16384xi32, #tpu.memory_space<hbm>>
    %dma_wait3A_74 = tpu.memref_slice %arg4[%add3A_72] : memref<2097152xi32, #tpu.memory_space<hbm>> -> memref<16384xi32, #tpu.memory_space<hbm>>
    tpu.wait_dma2 semaphore(%arg13 : memref<!tpu.dma_semaphore, #tpu.memory_space<semaphore_mem>>) src(%arg9 : memref<16384xi32, #tpu.memory_space<vmem>>) dst(%dma_wait3A_74 : memref<16384xi32, #tpu.memory_space<hbm>>)
    return
  }
}

module attributes {stable_mosaic.version = 14 : i64} {
  func.func @_tc_body(%arg0: i32, %arg1: memref<16xf32, #tpu.memory_space<smem>>, %arg2: memref<1048576xf32, #tpu.memory_space<vmem>>, %arg3: memref<1048576xi32, #tpu.memory_space<vmem>>) attributes {dimension_semantics = [#tpu.dimension_semantics<arbitrary>], iteration_bounds = array<i64: 6>, scalar_prefetch = 0 : i64, scratch_operands = 0 : i64, tpu.core_type = #tpu.core_type<tc>, window_params = [{transform_indices = @transform_0, window_bounds = array<i64: 16>}, {transform_indices = @transform_1, window_bounds = array<i64: 1048576>}, {transform_indices = @transform_2, window_bounds = array<i64: 1048576>}]} {
    %get3A = arith.constant 0 : index
    %get3A_0 = vector.load %arg2[%get3A] : memref<1048576xf32, #tpu.memory_space<vmem>>, vector<1048576xf32>
    %broadcast_in_dim3A = arith.constant 5 : i32
    %broadcast_in_dim3A_1 = vector.broadcast %broadcast_in_dim3A : i32 to vector<1048576xi32>
    %get3A_2 = arith.constant 0 : index
    %get3A_3 = memref.load %arg1[%get3A_2] : memref<16xf32, #tpu.memory_space<smem>>
    %gt3A = vector.broadcast %get3A_3 : f32 to vector<1048576xf32>
    %gt3A_4 = arith.cmpf ogt, %get3A_0, %gt3A : vector<1048576xf32>
    %jit3A = arith.constant 2 : i32
    %broadcast_in_dim3A_5 = vector.broadcast %jit3A : i32 to vector<1048576xi32>
    %select_n3A = arith.select %gt3A_4, %broadcast_in_dim3A_5, %broadcast_in_dim3A_1 : vector<1048576xi1>, vector<1048576xi32>
    %get3A_6 = arith.constant 1 : index
    %get3A_7 = memref.load %arg1[%get3A_6] : memref<16xf32, #tpu.memory_space<smem>>
    %gt3A_8 = vector.broadcast %get3A_7 : f32 to vector<1048576xf32>
    %gt3A_9 = arith.cmpf ogt, %get3A_0, %gt3A_8 : vector<1048576xf32>
    %jit3A_10 = arith.constant 4 : i32
    %broadcast_in_dim3A_11 = vector.broadcast %jit3A_10 : i32 to vector<1048576xi32>
    %select_n3A_12 = arith.select %gt3A_9, %broadcast_in_dim3A_11, %select_n3A : vector<1048576xi1>, vector<1048576xi32>
    %get3A_13 = arith.constant 2 : index
    %get3A_14 = memref.load %arg1[%get3A_13] : memref<16xf32, #tpu.memory_space<smem>>
    %gt3A_15 = vector.broadcast %get3A_14 : f32 to vector<1048576xf32>
    %gt3A_16 = arith.cmpf ogt, %get3A_0, %gt3A_15 : vector<1048576xf32>
    %jit3A_17 = arith.constant 2 : i32
    %broadcast_in_dim3A_18 = vector.broadcast %jit3A_17 : i32 to vector<1048576xi32>
    %select_n3A_19 = arith.select %gt3A_16, %broadcast_in_dim3A_18, %select_n3A_12 : vector<1048576xi1>, vector<1048576xi32>
    %get3A_20 = arith.constant 3 : index
    %get3A_21 = memref.load %arg1[%get3A_20] : memref<16xf32, #tpu.memory_space<smem>>
    %gt3A_22 = vector.broadcast %get3A_21 : f32 to vector<1048576xf32>
    %gt3A_23 = arith.cmpf ogt, %get3A_0, %gt3A_22 : vector<1048576xf32>
    %jit3A_24 = arith.constant 5 : i32
    %broadcast_in_dim3A_25 = vector.broadcast %jit3A_24 : i32 to vector<1048576xi32>
    %select_n3A_26 = arith.select %gt3A_23, %broadcast_in_dim3A_25, %select_n3A_19 : vector<1048576xi1>, vector<1048576xi32>
    %get3A_27 = arith.constant 4 : index
    %get3A_28 = memref.load %arg1[%get3A_27] : memref<16xf32, #tpu.memory_space<smem>>
    %gt3A_29 = vector.broadcast %get3A_28 : f32 to vector<1048576xf32>
    %gt3A_30 = arith.cmpf ogt, %get3A_0, %gt3A_29 : vector<1048576xf32>
    %jit3A_31 = arith.constant 4 : i32
    %broadcast_in_dim3A_32 = vector.broadcast %jit3A_31 : i32 to vector<1048576xi32>
    %select_n3A_33 = arith.select %gt3A_30, %broadcast_in_dim3A_32, %select_n3A_26 : vector<1048576xi1>, vector<1048576xi32>
    %get3A_34 = arith.constant 5 : index
    %get3A_35 = memref.load %arg1[%get3A_34] : memref<16xf32, #tpu.memory_space<smem>>
    %gt3A_36 = vector.broadcast %get3A_35 : f32 to vector<1048576xf32>
    %gt3A_37 = arith.cmpf ogt, %get3A_0, %gt3A_36 : vector<1048576xf32>
    %jit3A_38 = arith.constant 1 : i32
    %broadcast_in_dim3A_39 = vector.broadcast %jit3A_38 : i32 to vector<1048576xi32>
    %select_n3A_40 = arith.select %gt3A_37, %broadcast_in_dim3A_39, %select_n3A_33 : vector<1048576xi1>, vector<1048576xi32>
    %get3A_41 = arith.constant 6 : index
    %get3A_42 = memref.load %arg1[%get3A_41] : memref<16xf32, #tpu.memory_space<smem>>
    %gt3A_43 = vector.broadcast %get3A_42 : f32 to vector<1048576xf32>
    %gt3A_44 = arith.cmpf ogt, %get3A_0, %gt3A_43 : vector<1048576xf32>
    %jit3A_45 = arith.constant 8 : i32
    %broadcast_in_dim3A_46 = vector.broadcast %jit3A_45 : i32 to vector<1048576xi32>
    %select_n3A_47 = arith.select %gt3A_44, %broadcast_in_dim3A_46, %select_n3A_40 : vector<1048576xi1>, vector<1048576xi32>
    %get3A_48 = arith.constant 7 : index
    %get3A_49 = memref.load %arg1[%get3A_48] : memref<16xf32, #tpu.memory_space<smem>>
    %gt3A_50 = vector.broadcast %get3A_49 : f32 to vector<1048576xf32>
    %gt3A_51 = arith.cmpf ogt, %get3A_0, %gt3A_50 : vector<1048576xf32>
    %jit3A_52 = arith.constant 6 : i32
    %broadcast_in_dim3A_53 = vector.broadcast %jit3A_52 : i32 to vector<1048576xi32>
    %select_n3A_54 = arith.select %gt3A_51, %broadcast_in_dim3A_53, %select_n3A_47 : vector<1048576xi1>, vector<1048576xi32>
    %get3A_55 = arith.constant 8 : index
    %get3A_56 = memref.load %arg1[%get3A_55] : memref<16xf32, #tpu.memory_space<smem>>
    %gt3A_57 = vector.broadcast %get3A_56 : f32 to vector<1048576xf32>
    %gt3A_58 = arith.cmpf ogt, %get3A_0, %gt3A_57 : vector<1048576xf32>
    %jit3A_59 = arith.constant 5 : i32
    %broadcast_in_dim3A_60 = vector.broadcast %jit3A_59 : i32 to vector<1048576xi32>
    %select_n3A_61 = arith.select %gt3A_58, %broadcast_in_dim3A_60, %select_n3A_54 : vector<1048576xi1>, vector<1048576xi32>
    %swap3A = arith.constant 0 : index
    %swap3A_62 = vector.load %arg3[%swap3A] : memref<1048576xi32, #tpu.memory_space<vmem>>, vector<1048576xi32>
    tpu.vector_store %arg3[%swap3A], %select_n3A_61 {strides = array<i32>} : memref<1048576xi32, #tpu.memory_space<vmem>>, vector<1048576xi32>,
    return
  }
  func.func @transform_0(%arg0: i32) -> i32 {
    %c0_i32 = arith.constant 0 : i32
    %c0_i32_0 = arith.constant 0 : i32
    return %c0_i32 : i32
  }
  func.func @transform_1(%arg0: i32) -> i32 {
    %c0_i32 = arith.constant 0 : i32
    return %arg0 : i32
  }
  func.func @transform_2(%arg0: i32) -> i32 {
    %c0_i32 = arith.constant 0 : i32
    return %arg0 : i32
  }
}

</mosaic_0001>

<sc_bundles>
// kernel: kernel.4.cloned.1.call-start
scs
__scs_entry_jumppad:
0x0: {  	(pc) =	sbr.rel $0x88, $3  }
0x1: {  	(tag) =	ssettag $0x0;
	lr =	simm.s32 $0x1  }
0x2: {  	[smem:$0x3FA0] =	sst lr;
	_ =	strace $0xD0000000  }
0x3: {  	_ = 	snop  }
0x4: {  	_ = 	snop  }
0x5: {  	_ = 	snop  }
0x6: {  	_ = 	snop  }
0x7: {  	_ = 	snop  }
__scs_overlays_trampoline_lowered:
0x8: {  	[smem:$0x3FAF] =	sst s0  }
0x9: {  	[smem:$0x3FB0] =	sst s1  }
0xa: {  	[smem:$0x3FB1] =	sst s2  }
0xb: {  	[smem:$0x3FB2] =	sst s3  }
0xc: {  	[smem:$0x3FB3] =	sst s4  }
0xd: {  	[smem:$0x3FB4] =	sst s5  }
0xe: {  	[smem:$0x3FB5] =	sst s6  }
0xf: {  	[smem:$0x3FB6] =	sst s7  }
0x10: {  	[smem:$0x3FB7] =	sst s8  }
0x11: {  	[smem:$0x3FB8] =	sst s9;
	s0 =	simm.s32 @!p0 $0x0  }
0x12: {  	s1 =	sld [smem:$0x3F9E];
	s0 =	simm.s32 @p0 $0x1  }
0x13: {  	[smem:$0x3FB9] =	sst s0;
	s0 =	simm.s32 @!p1 $0x0  }
0x14: {  	s2 =	sld [smem:$0x3F9D];
	s0 =	simm.s32 @p1 $0x1  }
0x15: {  	[smem:$0x3FBA] =	sst s0;
	s0 =	simm.s32 @!p2 $0x0  }
0x16: {  	s3 =	sld [smem:$0x3FDB];
	s0 =	simm.s32 @p2 $0x1  }
0x17: {  	s4 =	simm.s32 $0x1BF5;
	[smem:$0x3FBC] =	sst s0  }
0x18: {  	s0 =	sld [smem:$0x3F9F];
	_ =	swait.ge [sflag:s4], $0x0  }
0x19: {  	s7 =	sld [smem:$0x3FA0]  }
0x1a: {  	s8 =	sadd.s32 $0xFFFFE003, lr  }
0x1b: {  	s9 =	sadd.s32 $0xFFFFFEF7, lr;
	s5 =	simm.s32 $0xFFFFFFFF;
	p2 =	slt.u32 s8, $0xFFFFF086  }
0x1c: {  	p1 =	slt.u32 s9, $0xF7A;
	s5 =	simm.s32 @!p2 $0x0  }
0x1d: {  	s5 =	simm.s32 @p1 $0x1;
	p0 =	seq.s32 s7, s2  }
0x1e: {  	s7 =	smul.u32 @!p0 $0xF7A, s2;
	p2 =	seq.s32 @!p0 s5, $0x0  }
0x1f: {  	s9 =	smul.u32 $0xF7A, s1;
	s8 =	simm.s32 @!p0 $0x1BF5;
	p2 =	por !p2, p0  }
0x20: {  	[sflag:s8] =	ssyncset.s32 @!p0 $0xFFFFF086;
	s6 =	sadd.s32 @!p0 s3, s7;
	s7 =	simm.s32 @!p0 $0x108  }
0x21: {  	s3 =	sadd.s32 s3, s9;
	s6 =	sadd.s32 @!p0 $0x88, s6;
	s7 =	simm.s32 @p2 $0x1082  }
0x22: {  	[simem:s7], [sflag:s8] =	dma.local @!p0 [hbm:s6], $0xF7A  }
0x23: {  	s9 =	sor.u32 $0xD0000000, s2;
	s6 =	simm.s32 $0x108;
	_ =	swait.ge @!p0 [sflag:s8], $0x0  }
0x24: {  	s3 =	sadd.s32 $0x88, s3;
	s6 =	simm.s32 @!p1 $0x1082;
	[sflag:s4] =	ssyncset.s32 $0xFFFFF086  }
0x25: {  	[simem:s6], [sflag:s4] =	dma.local [hbm:s3], $0xF7A  }
0x26: {  	[smem:$0x3FA0] =	sst s1;
	(tag) =	ssettag s2;
	_ =	strace s9  }
0x27: {  	s1 =	sld [smem:$0x3FB0]  }
0x28: {  	s2 =	sld [smem:$0x3FB1]  }
0x29: {  	s4 =	sld [smem:$0x3FB3]  }
0x2a: {  	p0 =	seq.s32 s5, $0x0;
	s5 =	sld [smem:$0x3FB4]  }
0x2b: {  	s6 =	sld [smem:$0x3FB5]  }
0x2c: {  	s7 =	sld [smem:$0x3FB6]  }
0x2d: {  	s3 =	simm.s32 $0x108;
	s8 =	sld [smem:$0x3FB7]  }
0x2e: {  	s3 =	simm.s32 @!p0 $0x1082;
	s9 =	sld [smem:$0x3FB8]  }
0x2f: {  	lr =	sadd.s32 s0, s3;
	s0 =	sld [smem:$0x3FAF]  }
0x30: {  	s3 =	sld [smem:$0x3FB2]  }
0x31: {  	[smem:$0x3FBB] =	sst s10  }
0x32: {  	s10 =	sld [smem:$0x3FB9];
	_ =	sdelay $0x3  }
0x33: {  	p0 =	seq.s32 s10, $0x1;
	s10 =	sld [smem:$0x3FBB];
	_ =	sdelay $0x3  }
0x34: {  	[smem:$0x3FBB] =	sst s10  }
0x35: {  	s10 =	sld [smem:$0x3FBA];
	_ =	sdelay $0x3  }
0x36: {  	p1 =	seq.s32 s10, $0x1;
	s10 =	sld [smem:$0x3FBB];
	_ =	sdelay $0x3  }
0x37: {  	[smem:$0x3FBB] =	sst s10  }
0x38: {  	s10 =	sld [smem:$0x3FBC]  }
0x39: {  	_ = 	snop;
	(pc) =	sbr.ind lr, $3  }
0x3a: {  	_ = 	snop  }
0x3b: {  	_ = 	snop  }
0x3c: {  	p2 =	seq.s32 s10, $0x1;
	s10 =	sld [smem:$0x3FBB]  }
0x3d: {  	_ =	shalt  }
0x3e: {  	_ =	shalt  }
0x3f: {  	_ =	shalt  }
0x40: {  	_ =	shalt  }
0x41: {  	_ =	shalt  }
0x42: {  	_ =	shalt  }
0x43: {  	_ =	shalt  }
0x44: {  	_ =	shalt  }
0x45: {  	_ =	shalt  }
0x46: {  	_ =	shalt  }
0x47: {  	_ =	shalt  }
0x48: {  	_ =	shalt  }
0x49: {  	_ =	shalt  }
0x4a: {  	_ =	shalt  }
0x4b: {  	_ =	shalt  }
0x4c: {  	_ =	shalt  }
0x4d: {  	_ =	shalt  }
0x4e: {  	_ =	shalt  }
0x4f: {  	_ =	shalt  }
0x50: {  	_ =	shalt  }
0x51: {  	_ =	shalt  }
0x52: {  	_ =	shalt  }
0x53: {  	_ =	shalt  }
0x54: {  	_ =	shalt  }
0x55: {  	_ =	shalt  }
0x56: {  	_ =	shalt  }
0x57: {  	_ =	shalt  }
0x58: {  	_ =	shalt  }
0x59: {  	_ =	shalt  }
0x5a: {  	_ =	shalt  }
0x5b: {  	_ =	shalt  }
0x5c: {  	_ =	shalt  }
0x5d: {  	_ =	shalt  }
0x5e: {  	_ =	shalt  }
0x5f: {  	_ =	shalt  }
0x60: {  	_ =	shalt  }
0x61: {  	_ =	shalt  }
0x62: {  	_ =	shalt  }
0x63: {  	_ =	shalt  }
0x64: {  	_ =	shalt  }
0x65: {  	_ =	shalt  }
0x66: {  	_ =	shalt  }
0x67: {  	_ =	shalt  }
0x68: {  	_ =	shalt  }
0x69: {  	_ =	shalt  }
0x6a: {  	_ =	shalt  }
0x6b: {  	_ =	shalt  }
0x6c: {  	_ =	shalt  }
0x6d: {  	_ =	shalt  }
0x6e: {  	_ =	shalt  }
0x6f: {  	_ =	shalt  }
0x70: {  	_ =	shalt  }
0x71: {  	_ =	shalt  }
0x72: {  	_ =	shalt  }
0x73: {  	_ =	shalt  }
0x74: {  	_ =	shalt  }
0x75: {  	_ =	shalt  }
0x76: {  	_ =	shalt  }
0x77: {  	_ =	shalt  }
0x78: {  	_ =	shalt  }
0x79: {  	_ =	shalt  }
0x7a: {  	_ =	shalt  }
0x7b: {  	_ =	shalt  }
0x7c: {  	_ =	shalt  }
0x7d: {  	_ =	shalt  }
0x7e: {  	_ =	shalt  }
0x7f: {  	_ =	shalt  }
0x80: {  	_ =	shalt  }
0x81: {  	_ =	shalt  }
0x82: {  	_ =	shalt  }
0x83: {  	_ =	shalt  }
0x84: {  	_ =	shalt  }
0x85: {  	_ =	shalt  }
0x86: {  	_ =	shalt  }
0x87: {  	_ =	shalt  }
.Lfunc_end0:
.L_simem_size_0:
called_computation_lowered:
.L_overlay_start_0:
0x88: {  	s2 =	sld [smem:$0x3FD9]  }
0x89: {  	s3 =	sld [smem:$0x3FFE];
	_ =	sdelay $0x1  }
0x8a: {  	s1 =	srdreg.scid  }
0x8b: {  	s0 =	sand.u32 $0x1, s1  }
0x8c: {  	s17 =	sshll.u32 s0, $0xA;
	s2 =	sadd.s32 s3, s2  }
0x8d: {  	s2 =	sadd.s32 s2, s17  }
0x8e: {  	[smem:$0x3FC7] =	sst s2  }
0x8f: {  	_ = 	snop  }
0x90: {  	s2 =	sld [smem:$0x3FC9];
	(tm) =	ssettm $0x1  }
0x91: {  	s18 =	sld [smem:$0x3FFB];
	_ =	sdelay $0x3  }
0x92: {  	_ =	strace s18  }
0x93: {  	s3 =	sld [smem:$0x3FFC];
	_ =	sdelay $0x3  }
0x94: {  	_ =	strace s3  }
0x95: {  	s3 =	sld [smem:$0x3FFD];
	_ =	sdelay $0x3  }
0x96: {  	_ =	strace s3  }
0x97: {  	_ =	strace $0x8FFFFFFF  }
0x98: {  	s19 =	sld [smem:$0x3FDB];
	_ =	sdelay $0x1  }
0x99: {  	s4 =	simm.s32 $_scs_section_size  }
0x9a: {  	s5 =	simm.s32 $_size__tile_overlayer_lowered;
	s6 =	simm.s32 $_tile_overlayer_lowered  }
0x9b: {  	s22 =	simm.s32 $0x1BFF;
	s21 =	sshll.u32 s6, $0x1;
	s3 =	sadd.s32 s4, s19  }
0x9c: {  	s7 =	simm.s32 $0x0;
	s20 =	sshll.u32 s5, $0x1;
	s5 =	sadd.s32 s21, s3  }
0x9d: {  	[timem:s7], [sflag:s22] =	dma.local [hbm:s5], s20  }
0x9e: {  	_ =	swait.ge [sflag:s22], s20  }
0x9f: {  	s4 =	ssub.s32 $0x0, s20;
	[sflag:s22] =	ssyncset.done $0x0  }
0xa0: {  	[sflag:s22] =	ssyncadd.s32 s4;
	_ =	sdelay $0x1  }
0xa1: {  	s23 =	simm.s32 $0x1B8B  }
0xa2: {  	_ =	swait.ge [sflag:s23], $0x1  }
0xa3: {  	[sflag:s23] =	ssyncset.done $0x0  }
0xa4: {  	s25 =	simm.s32 $0x1B8E;
	s24 =	sld [smem:$0x3FFE];
	[sflag:s23] =	ssyncadd.s32 $0xFFFFFFFF  }
0xa5: {  	s26 =	simm.s32 $execute0_lowered;
	[smem:$0x3FD2] =	sst s25  }
0xa6: {  	s5 =	sshll.u32 s26, $0x1;
	_ =	strace $0x80000046;
	[dreg:$0x1] =	wrdreg $0xFFFFFFFF  }
0xa7: {  	s28 =	simm.s32 $_size_execute0_lowered;
	s3 =	sadd.s32 s3, s5;
	[dreg:$0x0] =	wrdreg $0x0  }
0xa8: {  	s5 =	sshll.u32 s28, $0x1;
	[dreg:$0x2] =	wrdreg s3  }
0xa9: {  	[dreg:$0x3] =	wrdreg s5  }
0xaa: {  	[dreg:$0x4] =	wrdreg $0xC0  }
0xab: {  	_ =	task [dreg:s7], $0x5FFFF  }
0xac: {  	[dreg:$0x1] =	wrdreg $0xFFFFFFFF  }
0xad: {  	[dreg:$0x0] =	wrdreg $0x60  }
0xae: {  	[dreg:$0x2] =	wrdreg s2  }
0xaf: {  	[dreg:$0x3] =	wrdreg s24  }
0xb0: {  	[dreg:$0x4] =	wrdreg $0x9  }
0xb1: {  	_ =	task.clear_ibuf [dreg:s7], $0x5FFFF;
	_ =	strace $0x90000046  }
0xb2: {  	s29 =	simm.s32 $0x9;
	_ =	strace $0x80000048  }
0xb3: {  	_ =	swait.ge [sflag:s29], $0x1  }
0xb4: {  	[sflag:s29] =	ssyncadd.s32 $0xFFFFFFFF  }
0xb5: {  	_ =	strace $0x90000048  }
0xb6: {  	_ =	sfence  }
0xb7: {  	s30 =	sld [smem:$0x0];
	_ =	sdelay $0x2  }
0xb8: {  	s31 =	sshll.u32 s1, $0xD;
	s1 =	sshrl.u32 s1, $0x2  }
0xb9: {  	s3 =	sand.u32 $0x4000, s31;
	s1 =	sadd.s32 s1, s30  }
0xba: {  	s0 =	sor.u32 s3, s0;
	s1 =	sshll.u32 s1, $0x11  }
0xbb: {  	s0 =	sor.u32 s1, s0  }
0xbc: {  	s0 =	sadd.s32 $0x8F2B, s0  }
0xbd: {  	[sflag:s0] =	ssyncadd.remote.s32 $0x1  }
0xbe: {  	_ =	sfence.sel $0xFFFF  }
0xbf: {  	[dreg:$0x0] =	wrdreg $0xFFFFFFFF;
	(pc) =	sbr.abs _section_cstart, $3  }
0xc0: {  	[dreg:$0x1] =	wrdreg $0xFFFFFFFF  }
0xc1: {  	_ =	task.clear_ibuf [dreg:s7], $0x2FFFF;
	_ =	strace $0x9FFFFFFF  }
0xc2: {  	(tm) =	ssettm $0x7FFFFFFF  }
0xc3: {  	_ =	shalt  }
tec
execute0_lowered:
.L_overlay_start_1:
0x0: {  	(tag) =	ssettag $0x1  }
0x1: {  	s2 =	rddreg [dreg:$0x0]  }
0x2: {  	s3 =	rddreg [dreg:$0x1];
	s4 =	srdreg.scid  }
0x3: {  	s0 =	rddreg [dreg:$0x2];
	s1 =	stileid.u32;
	s11 =	simm.s32 $0x80  }
0x4: {  	s12 =	simm.s32 $0x4080;
	s13 =	simm.s32 $0x5;
	s14 =	simm.s32 $0x1  }
0x5: {  	s15 =	simm.s32 $0x8080;
	s16 =	simm.s32 $0x2;
	s17 =	simm.s32 $0xC080  }
0x6: {  	s18 =	simm.s32 $0x3;
	s19 =	simm.s32 $0x4;
	s20 =	simm.s32 $0x0  }
0x7: {  	s6 =	sand.u32 $0x1, s4;
	s4 =	simm.s32 $0x0;
	s5 =	sshll.u32 s1, $0x11  }
.Ltmp0:
0x8: {  	s7 =	sshll.u32 s6, $0x10;
	[smem:$0x7FF] =	sst s4;
	(pc) =	sbr.rel .LBB2_1-.Ltmp0, $4  }
0x9: {  	s31 =	ssub.s32 $0x2, s6;
	s6 =	sadd.s32 $0x200, s3;
	s5 =	sor.u32 s7, s5  }
0xa: {  	_ =	strace $0x80000047;
	s9 =	sshrl.u32 s31, $0x1;
	s8 =	sshrl.u32 s5, $0x3  }
0xb: {  	s10 =	ssub.s32 s31, s9;
	s9 =	sor.u32 $0x608000, s5;
	s8 =	sadd.s32 s8, s2  }
0xc: {  	v0 =	vimm.s32 $0x5;
	s10 =	smax.u32 s10, $0x1;
	s7 =	sadd.s32 $0xC0000, s8;
	s8 =	sadd.s32 $0xC0800, s8  }
.LBB2_8:
0xd: {  	s20 =	sadd.s32 $0x1, s20  }
0xe: {  	_ =	swait.ge [sflag:s18], $0x4000;
	p0 =	sne.s32 s20, s10  }
.Ltmp1:
0xf: {  	[sflag:s18] =	ssyncset.done $0x0;
	(pc) =	sbr.rel @!p0 .LBB2_9-.Ltmp1, $4  }
0x10: {  	[sflag:s18] =	ssyncadd.s32 $0xFFFFC000  }
0x11: {  	_ =	swait.ge [sflag:s19], $0x4000  }
0x12: {  	[sflag:s19] =	ssyncset.done $0x0  }
0x13: {  	[sflag:s19] =	ssyncadd.s32 $0xFFFFC000  }
.LBB2_1:
0x14: {  	[tilespmem:s11], [sflag:$0x1] =	stream.linear.gather [hbm4b:s7+s4], $0x4000, $0x38;
	[tilespmem:$0x10080] =	vst v63  }
0x15: {  	_ = 	snop  }
0x16: {  	[tilespmem:s12], [sflag:$0x2] =	stream.linear.gather [hbm4b:s8+s4], $0x4000, $0x38;
	[tilespmem:$0x10080] =	vst v63  }
0x17: {  	_ = 	snop  }
0x18: {  	[tilespmem:s4], [sflag:$0x5] =	stream.linear.gather [hbm4b:s3+s4], $0x80, $0x38;
	[tilespmem:$0x10080] =	vst v63  }
0x19: {  	_ =	swait.ge [sflag:s13], $0x80  }
0x1a: {  	[sflag:s13] =	ssyncset.done $0x0  }
0x1b: {  	[sflag:s13] =	ssyncadd.s32 $0xFFFFFF80  }
0x1c: {  	v9 =	vld [tilespmem:$0x0];
	_ =	sdelay $0x4  }
0x1d: {  	v1 =	vbroadcast v9, $0x0  }
0x1e: {  	v2 =	vbroadcast v9, $0x1;
	v3 =	vbroadcast v9, $0x2  }
0x1f: {  	v4 =	vbroadcast v9, $0x3;
	v5 =	vbroadcast v9, $0x4  }
0x20: {  	v6 =	vbroadcast v9, $0x5;
	v7 =	vbroadcast v9, $0x6  }
0x21: {  	p0 =	por $0x0, $0x0;
	s21 =	simm.s32 $0x0;
	v8 =	vbroadcast v9, $0x7;
	v9 =	vbroadcast v9, $0x8  }
.LBB2_2:
0x22: {  	_ =	swait.ge [sflag:s14], $0x4000  }
0x23: {  	[sflag:s14] =	ssyncset.done $0x0  }
0x24: {  	s22 =	simm.s32 @p0 $0x3;
	[sflag:s14] =	ssyncadd.s32 $0xFFFFC000  }
0x25: {  	_ =	swait.ge @p0 [sflag:s22], $0x4000  }
0x26: {  	[sflag:s22] =	ssyncset.done @p0 $0x0  }
0x27: {  	s31 =	simm.s32 $0xC0;
	[sflag:s22] =	ssyncadd.s32 @p0 $0xFFFFC000  }
0x28: {  	v17 =	vld [tilespmem:s31+$0x30]  }
0x29: {  	v10 =	vld [tilespmem:s31+$0xFFFFFFD0]  }
0x2a: {  	v11 =	vld [tilespmem:s31+$0xFFFFFFE0]  }
0x2b: {  	v12 =	vld [tilespmem:s31+$0xFFFFFFF0]  }
0x2c: {  	v13 =	vld [tilespmem:s31+$0x0]  }
0x2d: {  	v14 =	vld [tilespmem:s31+$0x10]  }
0x2e: {  	v15 =	vld [tilespmem:s31+$0x20]  }
0x2f: {  	v16 =	vld [tilespmem:s31+$0xFFFFFFC0];
	_ =	sdelay $0x1  }
0x30: {  	vm0 =	vgt.f32 v17, v1  }
0x31: {  	vm1 =	vgt.f32 v10, v1;
	vm2 =	vgt.f32 v11, v1;
	vm3 =	vgt.f32 v12, v1  }
0x32: {  	vm4 =	vgt.f32 v13, v1;
	vm5 =	vgt.f32 v14, v1;
	vm6 =	vgt.f32 v15, v1  }
0x33: {  	vm7 =	vgt.f32 v16, v1;
	vm10 =	vgt.f32 v13, v2;
	vm11 =	vgt.f32 v15, v2  }
0x34: {  	vm12 =	vgt.f32 v13, v3;
	vm13 =	vgt.f32 v14, v3;
	vm14 =	vgt.f32 v13, v4  }
0x35: {  	vm15 =	vgt.f32 v14, v4;
	vm8 =	vgt.f32 v13, v5;
	vm9 =	vgt.f32 v15, v5  }
0x36: {  	v18 =	vsel vm0, $0x2, v0;
	vm0 =	vgt.f32 v17, v2;
	v19 =	vsel vm7, $0x2, v0  }
0x37: {  	v20 =	vsel vm2, $0x2, v0;
	v21 =	vsel vm4, $0x2, v0;
	v23 =	vsel vm5, $0x2, v0  }
0x38: {  	v24 =	vsel vm6, $0x2, v0;
	vm2 =	vgt.f32 v11, v2;
	v18 =	vsel vm0, $0x4, v18  }
0x39: {  	vm0 =	vgt.f32 v17, v3;
	v20 =	vsel vm2, $0x4, v20;
	v21 =	vsel vm10, $0x4, v21  }
0x3a: {  	v24 =	vsel vm11, $0x4, v24;
	vm2 =	vgt.f32 v11, v3;
	vm10 =	vgt.f32 v13, v6  }
0x3b: {  	vm11 =	vgt.f32 v14, v6;
	v18 =	vsel vm0, $0x2, v18;
	vm0 =	vgt.f32 v17, v4  }
0x3c: {  	v20 =	vsel vm2, $0x2, v20;
	v21 =	vsel vm12, $0x2, v21;
	vm2 =	vgt.f32 v11, v4  }
0x3d: {  	vm12 =	vgt.f32 v13, v7;
	v18 =	vsel vm0, $0x5, v18;
	vm0 =	vgt.f32 v17, v5  }
0x3e: {  	v20 =	vsel vm2, $0x5, v20;
	v21 =	vsel vm14, $0x5, v21;
	vm2 =	vgt.f32 v10, v5  }
0x3f: {  	vm14 =	vgt.f32 v11, v8;
	v18 =	vsel vm0, $0x4, v18;
	vm0 =	vgt.f32 v17, v6  }
0x40: {  	v21 =	vsel vm8, $0x4, v21;
	v18 =	vsel vm0, $0x1, v18;
	vm0 =	vgt.f32 v17, v7  }
0x41: {  	v21 =	vsel vm10, $0x1, v21;
	v18 =	vsel vm0, $0x8, v18;
	vm0 =	vgt.f32 v17, v8  }
0x42: {  	v18 =	vsel vm0, $0x6, v18;
	vm0 =	vgt.f32 v17, v9;
	v17 =	vsel vm1, $0x2, v0  }
0x43: {  	vm1 =	vgt.f32 v10, v2;
	v22 =	vsel vm0, $0x5, v18;
	v18 =	vsel vm3, $0x2, v0  }
0x44: {  	vm0 =	vgt.f32 v16, v2;
	vm3 =	vgt.f32 v12, v2;
	v17 =	vsel vm1, $0x4, v17  }
0x45: {  	vm1 =	vgt.f32 v10, v3;
	v19 =	vsel vm0, $0x4, v19;
	vm0 =	vgt.f32 v14, v2  }
0x46: {  	v18 =	vsel vm3, $0x4, v18;
	vm3 =	vgt.f32 v12, v3;
	v17 =	vsel vm1, $0x2, v17  }
0x47: {  	vm1 =	vgt.f32 v16, v4;
	v23 =	vsel vm0, $0x4, v23;
	vm0 =	vgt.f32 v16, v3  }
0x48: {  	v18 =	vsel vm3, $0x2, v18;
	vm3 =	vgt.f32 v12, v4;
	v19 =	vsel vm0, $0x2, v19  }
0x49: {  	vm0 =	vgt.f32 v15, v3;
	v23 =	vsel vm13, $0x2, v23;
	v18 =	vsel vm3, $0x5, v18  }
0x4a: {  	vm3 =	vgt.f32 v12, v5;
	vm13 =	vgt.f32 v14, v7;
	v24 =	vsel vm0, $0x2, v24  }
0x4b: {  	vm0 =	vgt.f32 v10, v4;
	v19 =	vsel vm1, $0x5, v19;
	vm1 =	vgt.f32 v15, v4  }
0x4c: {  	v23 =	vsel vm15, $0x5, v23;
	v18 =	vsel vm3, $0x4, v18;
	vm3 =	vgt.f32 v12, v6  }
0x4d: {  	vm15 =	vgt.f32 v12, v8;
	v17 =	vsel vm0, $0x5, v17;
	vm0 =	vgt.f32 v16, v5  }
0x4e: {  	v24 =	vsel vm1, $0x5, v24;
	vm1 =	vgt.f32 v11, v5;
	v18 =	vsel vm3, $0x1, v18  }
0x4f: {  	vm3 =	vgt.f32 v12, v7;
	v19 =	vsel vm0, $0x4, v19;
	vm0 =	vgt.f32 v14, v5  }
0x50: {  	v17 =	vsel vm2, $0x4, v17;
	v20 =	vsel vm1, $0x4, v20;
	v24 =	vsel vm9, $0x4, v24  }
0x51: {  	vm1 =	vgt.f32 v10, v6;
	vm2 =	vgt.f32 v11, v6;
	v27 =	vsel vm3, $0x8, v18  }
0x52: {  	vm3 =	vgt.f32 v10, v8;
	v23 =	vsel vm0, $0x4, v23;
	vm0 =	vgt.f32 v16, v6  }
0x53: {  	v17 =	vsel vm1, $0x1, v17;
	v20 =	vsel vm2, $0x1, v20;
	vm1 =	vgt.f32 v16, v7  }
0x54: {  	vm2 =	vgt.f32 v11, v7;
	v19 =	vsel vm0, $0x1, v19;
	vm0 =	vgt.f32 v15, v6  }
0x55: {  	v23 =	vsel vm11, $0x1, v23;
	v20 =	vsel vm2, $0x8, v20;
	vm2 =	vgt.f32 v14, v8  }
0x56: {  	s22 =	simm.s32 $0x80C0;
	v24 =	vsel vm0, $0x1, v24;
	vm0 =	vgt.f32 v10, v7;
	v25 =	vsel vm1, $0x8, v19  }
0x57: {  	[tilespmem:s22+$0x30] =	vst v22;
	vm1 =	vgt.f32 v15, v7;
	v19 =	vsel vm12, $0x8, v21;
	v22 =	vsel vm14, $0x6, v20  }
0x58: {  	v20 =	vsel vm15, $0x6, v27;
	v26 =	vsel vm0, $0x8, v17;
	v17 =	vsel vm13, $0x8, v23  }
0x59: {  	vm0 =	vgt.f32 v16, v8;
	v18 =	vsel vm1, $0x8, v24;
	vm1 =	vgt.f32 v13, v8  }
0x5a: {  	s23 =	simm.s32 $0x0;
	s24 =	simm.s32 $0x140;
	v21 =	vsel vm0, $0x6, v25;
	vm0 =	vgt.f32 v15, v8;
	v23 =	vsel vm3, $0x6, v26  }
.LBB2_3:
0x5b: {  	v24 =	vld [tilespmem:s24+$0x30];
	s23 =	sadd.s32 $0x80, s23;
	v19 =	vsel vm1, $0x6, v19;
	v17 =	vsel vm2, $0x6, v17;
	v18 =	vsel vm0, $0x6, v18  }
0x5c: {  	vm0 =	vgt.f32 v16, v9;
	vm1 =	vgt.f32 v10, v9;
	vm2 =	vgt.f32 v11, v9;
	p1 =	slt.u32 s23, $0x3F80;
	v10 =	vld [tilespmem:s24+$0xFFFFFFD0]  }
0x5d: {  	vm3 =	vgt.f32 v12, v9;
	vm4 =	vgt.f32 v13, v9;
	vm5 =	vgt.f32 v14, v9;
	v11 =	vld [tilespmem:s24+$0xFFFFFFE0]  }
0x5e: {  	v14 =	vsel vm0, $0x5, v21;
	v16 =	vsel vm1, $0x5, v23;
	vm0 =	vgt.f32 v15, v9;
	v12 =	vld [tilespmem:s24+$0xFFFFFFF0]  }
0x5f: {  	v21 =	vsel vm2, $0x5, v22;
	v20 =	vsel vm3, $0x5, v20;
	v19 =	vsel vm4, $0x5, v19;
	v13 =	vld [tilespmem:s24+$0x0];
	[tilespmem:s22+$0xFFFFFFC0] =	vst v14  }
0x60: {  	v17 =	vsel vm5, $0x5, v17;
	v18 =	vsel vm0, $0x5, v18;
	v14 =	vld [tilespmem:s24+$0x10];
	vm1 =	vgt.f32 v24, v1;
	[tilespmem:s22+$0xFFFFFFD0] =	vst v16  }
0x61: {  	vm2 =	vgt.f32 v24, v2;
	vm0 =	vgt.f32 v10, v1;
	v15 =	vld [tilespmem:s24+$0x20];
	v22 =	vsel vm1, $0x2, v0;
	[tilespmem:s22+$0xFFFFFFE0] =	vst v21  }
0x62: {  	v16 =	vld [tilespmem:s24+$0xFFFFFFC0];
	vm1 =	vgt.f32 v11, v1;
	v21 =	vsel vm2, $0x4, v22;
	vm2 =	vgt.f32 v24, v3;
	[tilespmem:s22+$0xFFFFFFF0] =	vst v20  }
0x63: {  	vm3 =	vgt.f32 v12, v1;
	v20 =	vsel vm2, $0x2, v21;
	vm2 =	vgt.f32 v24, v4;
	[tilespmem:s22+$0x0] =	vst v19  }
0x64: {  	vm4 =	vgt.f32 v13, v1;
	v19 =	vsel vm2, $0x5, v20;
	vm2 =	vgt.f32 v24, v5;
	[tilespmem:s22+$0x10] =	vst v17  }
0x65: {  	vm5 =	vgt.f32 v14, v1;
	v17 =	vsel vm2, $0x4, v19;
	vm2 =	vgt.f32 v24, v6;
	[tilespmem:s22+$0x20] =	vst v18  }
0x66: {  	vm6 =	vgt.f32 v15, v1;
	v17 =	vsel vm2, $0x1, v17;
	vm2 =	vgt.f32 v24, v7  }
0x67: {  	vm7 =	vgt.f32 v16, v1;
	v17 =	vsel vm2, $0x8, v17;
	vm2 =	vgt.f32 v24, v8  }
0x68: {  	v18 =	vsel vm7, $0x2, v0;
	v17 =	vsel vm2, $0x6, v17;
	vm2 =	vgt.f32 v24, v9  }
0x69: {  	v20 =	vsel vm1, $0x2, v0;
	v19 =	vsel vm0, $0x2, v0;
	s22 =	sadd.s32 $0x80, s22;
	v17 =	vsel vm2, $0x5, v17  }
0x6a: {  	v21 =	vsel vm3, $0x2, v0;
	v22 =	vsel vm4, $0x2, v0;
	v23 =	vsel vm5, $0x2, v0;
	[tilespmem:s22+$0x30] =	vst v17  }
0x6b: {  	vm1 =	vgt.f32 v10, v2;
	vm0 =	vgt.f32 v16, v2;
	v17 =	vsel vm6, $0x2, v0  }
0x6c: {  	vm3 =	vgt.f32 v12, v2;
	vm4 =	vgt.f32 v13, v2;
	vm2 =	vgt.f32 v11, v2  }
0x6d: {  	vm5 =	vgt.f32 v15, v2;
	v18 =	vsel vm0, $0x4, v18;
	vm0 =	vgt.f32 v14, v2  }
0x6e: {  	v21 =	vsel vm3, $0x4, v21;
	v19 =	vsel vm1, $0x4, v19;
	v20 =	vsel vm2, $0x4, v20  }
0x6f: {  	v22 =	vsel vm4, $0x4, v22;
	v23 =	vsel vm0, $0x4, v23;
	v17 =	vsel vm5, $0x4, v17  }
0x70: {  	vm1 =	vgt.f32 v10, v3;
	vm0 =	vgt.f32 v16, v3;
	vm2 =	vgt.f32 v11, v3  }
0x71: {  	vm3 =	vgt.f32 v12, v3;
	vm4 =	vgt.f32 v13, v3;
	vm5 =	vgt.f32 v14, v3  }
0x72: {  	v19 =	vsel vm1, $0x2, v19;
	v18 =	vsel vm0, $0x2, v18;
	vm0 =	vgt.f32 v15, v3  }
0x73: {  	v21 =	vsel vm3, $0x2, v21;
	v22 =	vsel vm4, $0x2, v22;
	v20 =	vsel vm2, $0x2, v20  }
0x74: {  	vm1 =	vgt.f32 v16, v4;
	v23 =	vsel vm5, $0x2, v23;
	v17 =	vsel vm0, $0x2, v17  }
0x75: {  	vm3 =	vgt.f32 v12, v4;
	vm2 =	vgt.f32 v11, v4;
	vm0 =	vgt.f32 v10, v4  }
0x76: {  	vm4 =	vgt.f32 v13, v4;
	vm6 =	vgt.f32 v15, v4;
	vm5 =	vgt.f32 v14, v4  }
0x77: {  	v18 =	vsel vm1, $0x5, v18;
	v20 =	vsel vm2, $0x5, v20;
	v19 =	vsel vm0, $0x5, v19  }
0x78: {  	v21 =	vsel vm3, $0x5, v21;
	v22 =	vsel vm4, $0x5, v22;
	v23 =	vsel vm5, $0x5, v23  }
0x79: {  	vm1 =	vgt.f32 v10, v5;
	vm0 =	vgt.f32 v16, v5;
	v17 =	vsel vm6, $0x5, v17  }
0x7a: {  	vm3 =	vgt.f32 v12, v5;
	vm4 =	vgt.f32 v13, v5;
	vm2 =	vgt.f32 v11, v5  }
0x7b: {  	vm5 =	vgt.f32 v15, v5;
	v18 =	vsel vm0, $0x4, v18;
	vm0 =	vgt.f32 v14, v5  }
0x7c: {  	v21 =	vsel vm3, $0x4, v21;
	v20 =	vsel vm2, $0x4, v20;
	v19 =	vsel vm1, $0x4, v19  }
0x7d: {  	v22 =	vsel vm4, $0x4, v22;
	v17 =	vsel vm5, $0x4, v17;
	v23 =	vsel vm0, $0x4, v23  }
0x7e: {  	vm2 =	vgt.f32 v11, v6;
	vm1 =	vgt.f32 v10, v6;
	vm0 =	vgt.f32 v16, v6  }
0x7f: {  	vm3 =	vgt.f32 v12, v6;
	vm4 =	vgt.f32 v13, v6;
	vm5 =	vgt.f32 v14, v6  }
0x80: {  	v19 =	vsel vm1, $0x1, v19;
	v18 =	vsel vm0, $0x1, v18;
	vm0 =	vgt.f32 v15, v6  }
0x81: {  	v21 =	vsel vm3, $0x1, v21;
	v22 =	vsel vm4, $0x1, v22;
	v20 =	vsel vm2, $0x1, v20  }
0x82: {  	vm1 =	vgt.f32 v16, v7;
	v23 =	vsel vm5, $0x1, v23;
	v24 =	vsel vm0, $0x1, v17  }
0x83: {  	vm3 =	vgt.f32 v12, v7;
	vm2 =	vgt.f32 v11, v7;
	vm0 =	vgt.f32 v10, v7  }
0x84: {  	vm4 =	vgt.f32 v13, v7;
	vm6 =	vgt.f32 v15, v7;
	vm5 =	vgt.f32 v14, v7  }
0x85: {  	v20 =	vsel vm2, $0x8, v20;
	v25 =	vsel vm1, $0x8, v18;
	v26 =	vsel vm0, $0x8, v19  }
.Ltmp2:
0x86: {  	v27 =	vsel vm3, $0x8, v21;
	v17 =	vsel vm5, $0x8, v23;
	v19 =	vsel vm4, $0x8, v22;
	(pc) =	sbr.rel @p1 .LBB2_3-.Ltmp2, $4  }
0x87: {  	vm3 =	vgt.f32 v10, v8;
	vm0 =	vgt.f32 v16, v8;
	v18 =	vsel vm6, $0x8, v24  }
0x88: {  	vm5 =	vgt.f32 v12, v8;
	vm1 =	vgt.f32 v13, v8;
	vm4 =	vgt.f32 v11, v8  }
0x89: {  	vm2 =	vgt.f32 v14, v8;
	v21 =	vsel vm0, $0x6, v25;
	vm0 =	vgt.f32 v15, v8  }
0x8a: {  	s24 =	sadd.s32 $0x80, s24;
	v23 =	vsel vm3, $0x6, v26;
	v22 =	vsel vm4, $0x6, v20;
	v20 =	vsel vm5, $0x6, v27  }
0x8b: {  	vm3 =	vgt.f32 v16, v9  }
0x8c: {  	vm4 =	vgt.f32 v10, v9;
	v10 =	vsel vm3, $0x5, v21  }
0x8d: {  	vm8 =	vgt.f32 v12, v9;
	vm3 =	vgt.f32 v11, v9;
	v11 =	vsel vm4, $0x5, v23;
	[tilespmem:s22+$0xFFFFFFC0] =	vst v10  }
0x8e: {  	v12 =	vsel vm8, $0x5, v20;
	[tilespmem:s22+$0xFFFFFFD0] =	vst v11  }
0x8f: {  	v10 =	vsel vm3, $0x5, v22;
	v11 =	vsel vm1, $0x6, v19;
	vm1 =	vgt.f32 v13, v9;
	[tilespmem:s22+$0xFFFFFFF0] =	vst v12  }
0x90: {  	[tilespmem:s22+$0xFFFFFFE0] =	vst v10;
	v10 =	vsel vm2, $0x6, v17;
	vm2 =	vgt.f32 v14, v9;
	v11 =	vsel vm1, $0x5, v11  }
0x91: {  	s23 =	sor.u32 s5, s21;
	v12 =	vsel vm0, $0x6, v18;
	vm0 =	vgt.f32 v15, v9;
	v10 =	vsel vm2, $0x5, v10;
	[tilespmem:s22+$0x0] =	vst v11  }
0x92: {  	s23 =	sshrl.u32 s23, $0x3;
	v11 =	vsel vm0, $0x5, v12;
	[tilespmem:s22+$0x10] =	vst v10  }
0x93: {  	s30 =	sadd.s32 s6, s23;
	[tilespmem:s22+$0x20] =	vst v11;
	s22 =	sadd.s32 @!p0 s21, s9  }
0x94: {  	[hbm4b:s30+s4] =	stream.linear.scatter [tilespmem:s15], [sflag:$0x3], $0x4000, $0x38;
	[tilespmem:$0x10080] =	vst v63  }
0x95: {  	s22 =	sshrl.u32 @!p0 s22, $0x3  }
0x96: {  	s24 =	simm.s32 @!p0 $0x80;
	s23 =	simm.s32 @!p0 $0x0;
	s22 =	sadd.s32 @!p0 s2, s22  }
0x97: {  	[tilespmem:s24], [sflag:$0x1] =	stream.linear.gather @!p0 [hbm4b:s22+s23], $0x4000, $0x38;
	[tilespmem:$0x10080] =	vst v63  }
0x98: {  	_ =	swait.ge [sflag:s16], $0x4000  }
0x99: {  	[sflag:s16] =	ssyncset.done $0x0  }
0x9a: {  	s22 =	simm.s32 @p0 $0x4;
	[sflag:s16] =	ssyncadd.s32 $0xFFFFC000  }
0x9b: {  	_ =	swait.ge @p0 [sflag:s22], $0x4000  }
0x9c: {  	[sflag:s22] =	ssyncset.done @p0 $0x0  }
0x9d: {  	s31 =	simm.s32 $0x40C0;
	[sflag:s22] =	ssyncadd.s32 @p0 $0xFFFFC000  }
0x9e: {  	v17 =	vld [tilespmem:s31+$0x30]  }
0x9f: {  	v10 =	vld [tilespmem:s31+$0xFFFFFFD0]  }
0xa0: {  	v11 =	vld [tilespmem:s31+$0xFFFFFFE0]  }
0xa1: {  	v12 =	vld [tilespmem:s31+$0xFFFFFFF0]  }
0xa2: {  	v13 =	vld [tilespmem:s31+$0x0]  }
0xa3: {  	v14 =	vld [tilespmem:s31+$0x10]  }
0xa4: {  	v15 =	vld [tilespmem:s31+$0x20]  }
0xa5: {  	v16 =	vld [tilespmem:s31+$0xFFFFFFC0];
	_ =	sdelay $0x1  }
0xa6: {  	vm0 =	vgt.f32 v17, v1  }
0xa7: {  	vm1 =	vgt.f32 v10, v1;
	vm2 =	vgt.f32 v11, v1;
	vm3 =	vgt.f32 v12, v1  }
0xa8: {  	vm9 =	vgt.f32 v13, v1;
	vm5 =	vgt.f32 v14, v1;
	vm6 =	vgt.f32 v15, v1  }
0xa9: {  	vm7 =	vgt.f32 v16, v1;
	vm10 =	vgt.f32 v13, v2;
	vm11 =	vgt.f32 v15, v2  }
0xaa: {  	vm12 =	vgt.f32 v13, v3;
	vm13 =	vgt.f32 v14, v3;
	vm14 =	vgt.f32 v13, v4  }
0xab: {  	vm15 =	vgt.f32 v14, v4;
	vm8 =	vgt.f32 v13, v5;
	v18 =	vsel vm0, $0x2, v0  }
0xac: {  	vm0 =	vgt.f32 v17, v2;
	v19 =	vsel vm7, $0x2, v0;
	v20 =	vsel vm2, $0x2, v0  }
0xad: {  	v21 =	vsel vm9, $0x2, v0;
	v23 =	vsel vm5, $0x2, v0;
	v24 =	vsel vm6, $0x2, v0  }
0xae: {  	vm2 =	vgt.f32 v11, v2;
	vm9 =	vgt.f32 v15, v5;
	v18 =	vsel vm0, $0x4, v18  }
0xaf: {  	vm0 =	vgt.f32 v17, v3;
	v20 =	vsel vm2, $0x4, v20;
	v21 =	vsel vm10, $0x4, v21  }
0xb0: {  	v24 =	vsel vm11, $0x4, v24;
	vm2 =	vgt.f32 v11, v3;
	vm10 =	vgt.f32 v13, v6  }
0xb1: {  	vm11 =	vgt.f32 v14, v6;
	v18 =	vsel vm0, $0x2, v18;
	vm0 =	vgt.f32 v17, v4  }
0xb2: {  	v20 =	vsel vm2, $0x2, v20;
	v21 =	vsel vm12, $0x2, v21;
	vm2 =	vgt.f32 v11, v4  }
0xb3: {  	vm12 =	vgt.f32 v13, v7;
	v18 =	vsel vm0, $0x5, v18;
	vm0 =	vgt.f32 v17, v5  }
0xb4: {  	v20 =	vsel vm2, $0x5, v20;
	v21 =	vsel vm14, $0x5, v21;
	vm2 =	vgt.f32 v10, v5  }
0xb5: {  	vm14 =	vgt.f32 v11, v8;
	v18 =	vsel vm0, $0x4, v18;
	vm0 =	vgt.f32 v17, v6  }
0xb6: {  	v21 =	vsel vm8, $0x4, v21;
	v18 =	vsel vm0, $0x1, v18;
	vm0 =	vgt.f32 v17, v7  }
0xb7: {  	v21 =	vsel vm10, $0x1, v21;
	v18 =	vsel vm0, $0x8, v18;
	vm0 =	vgt.f32 v17, v8  }
0xb8: {  	v18 =	vsel vm0, $0x6, v18;
	vm0 =	vgt.f32 v17, v9;
	v17 =	vsel vm1, $0x2, v0  }
0xb9: {  	vm1 =	vgt.f32 v10, v2;
	v22 =	vsel vm0, $0x5, v18;
	v18 =	vsel vm3, $0x2, v0  }
0xba: {  	vm0 =	vgt.f32 v16, v2;
	vm3 =	vgt.f32 v12, v2;
	v17 =	vsel vm1, $0x4, v17  }
0xbb: {  	vm1 =	vgt.f32 v10, v3;
	v19 =	vsel vm0, $0x4, v19;
	vm0 =	vgt.f32 v14, v2  }
0xbc: {  	v18 =	vsel vm3, $0x4, v18;
	vm3 =	vgt.f32 v12, v3;
	v17 =	vsel vm1, $0x2, v17  }
0xbd: {  	vm1 =	vgt.f32 v16, v4;
	v23 =	vsel vm0, $0x4, v23;
	vm0 =	vgt.f32 v16, v3  }
0xbe: {  	v18 =	vsel vm3, $0x2, v18;
	vm3 =	vgt.f32 v12, v4;
	v19 =	vsel vm0, $0x2, v19  }
0xbf: {  	vm0 =	vgt.f32 v15, v3;
	v23 =	vsel vm13, $0x2, v23;
	v18 =	vsel vm3, $0x5, v18  }
0xc0: {  	vm3 =	vgt.f32 v12, v5;
	vm13 =	vgt.f32 v14, v7;
	v24 =	vsel vm0, $0x2, v24  }
0xc1: {  	vm0 =	vgt.f32 v10, v4;
	v19 =	vsel vm1, $0x5, v19;
	vm1 =	vgt.f32 v15, v4  }
0xc2: {  	v23 =	vsel vm15, $0x5, v23;
	v18 =	vsel vm3, $0x4, v18;
	vm3 =	vgt.f32 v12, v6  }
0xc3: {  	vm15 =	vgt.f32 v12, v8;
	v17 =	vsel vm0, $0x5, v17;
	vm0 =	vgt.f32 v16, v5  }
0xc4: {  	v24 =	vsel vm1, $0x5, v24;
	vm1 =	vgt.f32 v11, v5;
	v18 =	vsel vm3, $0x1, v18  }
0xc5: {  	vm3 =	vgt.f32 v12, v7;
	v19 =	vsel vm0, $0x4, v19;
	vm0 =	vgt.f32 v14, v5  }
0xc6: {  	v17 =	vsel vm2, $0x4, v17;
	v20 =	vsel vm1, $0x4, v20;
	v24 =	vsel vm9, $0x4, v24  }
0xc7: {  	vm1 =	vgt.f32 v10, v6;
	vm2 =	vgt.f32 v11, v6;
	v27 =	vsel vm3, $0x8, v18  }
0xc8: {  	vm3 =	vgt.f32 v10, v8;
	v23 =	vsel vm0, $0x4, v23;
	vm0 =	vgt.f32 v16, v6  }
0xc9: {  	v17 =	vsel vm1, $0x1, v17;
	v20 =	vsel vm2, $0x1, v20;
	vm1 =	vgt.f32 v16, v7  }
0xca: {  	vm2 =	vgt.f32 v11, v7;
	v19 =	vsel vm0, $0x1, v19;
	vm0 =	vgt.f32 v15, v6  }
0xcb: {  	v23 =	vsel vm11, $0x1, v23;
	v20 =	vsel vm2, $0x8, v20;
	vm2 =	vgt.f32 v14, v8  }
0xcc: {  	s22 =	simm.s32 $0xC0C0;
	v24 =	vsel vm0, $0x1, v24;
	vm0 =	vgt.f32 v10, v7;
	v25 =	vsel vm1, $0x8, v19  }
0xcd: {  	[tilespmem:s22+$0x30] =	vst v22;
	vm1 =	vgt.f32 v15, v7;
	v19 =	vsel vm12, $0x8, v21;
	v22 =	vsel vm14, $0x6, v20  }
0xce: {  	v20 =	vsel vm15, $0x6, v27;
	v26 =	vsel vm0, $0x8, v17;
	v17 =	vsel vm13, $0x8, v23  }
0xcf: {  	vm0 =	vgt.f32 v16, v8;
	v18 =	vsel vm1, $0x8, v24;
	vm1 =	vgt.f32 v13, v8  }
0xd0: {  	s21 =	sor.u32 $0x4000, s21;
	s23 =	simm.s32 $0x0;
	s24 =	simm.s32 $0x4140;
	v21 =	vsel vm0, $0x6, v25;
	vm0 =	vgt.f32 v15, v8;
	v23 =	vsel vm3, $0x6, v26  }
.LBB2_5:
0xd1: {  	v24 =	vld [tilespmem:s24+$0x30];
	s23 =	sadd.s32 $0x80, s23;
	v19 =	vsel vm1, $0x6, v19;
	v17 =	vsel vm2, $0x6, v17;
	v18 =	vsel vm0, $0x6, v18  }
0xd2: {  	vm0 =	vgt.f32 v16, v9;
	vm1 =	vgt.f32 v10, v9;
	vm2 =	vgt.f32 v11, v9;
	p1 =	slt.u32 s23, $0x3F80;
	v10 =	vld [tilespmem:s24+$0xFFFFFFD0]  }
0xd3: {  	vm3 =	vgt.f32 v12, v9;
	vm4 =	vgt.f32 v13, v9;
	vm5 =	vgt.f32 v14, v9;
	v11 =	vld [tilespmem:s24+$0xFFFFFFE0]  }
0xd4: {  	v14 =	vsel vm0, $0x5, v21;
	v16 =	vsel vm1, $0x5, v23;
	vm0 =	vgt.f32 v15, v9;
	v12 =	vld [tilespmem:s24+$0xFFFFFFF0]  }
0xd5: {  	v21 =	vsel vm2, $0x5, v22;
	v20 =	vsel vm3, $0x5, v20;
	v19 =	vsel vm4, $0x5, v19;
	v13 =	vld [tilespmem:s24+$0x0];
	[tilespmem:s22+$0xFFFFFFC0] =	vst v14  }
0xd6: {  	v17 =	vsel vm5, $0x5, v17;
	v18 =	vsel vm0, $0x5, v18;
	v14 =	vld [tilespmem:s24+$0x10];
	vm1 =	vgt.f32 v24, v1;
	[tilespmem:s22+$0xFFFFFFD0] =	vst v16  }
0xd7: {  	vm2 =	vgt.f32 v24, v2;
	vm0 =	vgt.f32 v10, v1;
	v15 =	vld [tilespmem:s24+$0x20];
	v22 =	vsel vm1, $0x2, v0;
	[tilespmem:s22+$0xFFFFFFE0] =	vst v21  }
0xd8: {  	v16 =	vld [tilespmem:s24+$0xFFFFFFC0];
	vm1 =	vgt.f32 v11, v1;
	v21 =	vsel vm2, $0x4, v22;
	vm2 =	vgt.f32 v24, v3;
	[tilespmem:s22+$0xFFFFFFF0] =	vst v20  }
0xd9: {  	vm3 =	vgt.f32 v12, v1;
	v20 =	vsel vm2, $0x2, v21;
	vm2 =	vgt.f32 v24, v4;
	[tilespmem:s22+$0x0] =	vst v19  }
0xda: {  	vm4 =	vgt.f32 v13, v1;
	v19 =	vsel vm2, $0x5, v20;
	vm2 =	vgt.f32 v24, v5;
	[tilespmem:s22+$0x10] =	vst v17  }
0xdb: {  	vm5 =	vgt.f32 v14, v1;
	v17 =	vsel vm2, $0x4, v19;
	vm2 =	vgt.f32 v24, v6;
	[tilespmem:s22+$0x20] =	vst v18  }
0xdc: {  	vm6 =	vgt.f32 v15, v1;
	v17 =	vsel vm2, $0x1, v17;
	vm2 =	vgt.f32 v24, v7  }
0xdd: {  	vm7 =	vgt.f32 v16, v1;
	v17 =	vsel vm2, $0x8, v17;
	vm2 =	vgt.f32 v24, v8  }
0xde: {  	v18 =	vsel vm7, $0x2, v0;
	v17 =	vsel vm2, $0x6, v17;
	vm2 =	vgt.f32 v24, v9  }
0xdf: {  	v20 =	vsel vm1, $0x2, v0;
	v19 =	vsel vm0, $0x2, v0;
	s22 =	sadd.s32 $0x80, s22;
	v17 =	vsel vm2, $0x5, v17  }
0xe0: {  	v21 =	vsel vm3, $0x2, v0;
	v22 =	vsel vm4, $0x2, v0;
	v23 =	vsel vm5, $0x2, v0;
	[tilespmem:s22+$0x30] =	vst v17  }
0xe1: {  	vm1 =	vgt.f32 v10, v2;
	vm0 =	vgt.f32 v16, v2;
	v17 =	vsel vm6, $0x2, v0  }
0xe2: {  	vm3 =	vgt.f32 v12, v2;
	vm4 =	vgt.f32 v13, v2;
	vm2 =	vgt.f32 v11, v2  }
0xe3: {  	vm5 =	vgt.f32 v15, v2;
	v18 =	vsel vm0, $0x4, v18;
	vm0 =	vgt.f32 v14, v2  }
0xe4: {  	v21 =	vsel vm3, $0x4, v21;
	v19 =	vsel vm1, $0x4, v19;
	v20 =	vsel vm2, $0x4, v20  }
0xe5: {  	v22 =	vsel vm4, $0x4, v22;
	v23 =	vsel vm0, $0x4, v23;
	v17 =	vsel vm5, $0x4, v17  }
0xe6: {  	vm1 =	vgt.f32 v10, v3;
	vm0 =	vgt.f32 v16, v3;
	vm2 =	vgt.f32 v11, v3  }
0xe7: {  	vm3 =	vgt.f32 v12, v3;
	vm4 =	vgt.f32 v13, v3;
	vm5 =	vgt.f32 v14, v3  }
0xe8: {  	v19 =	vsel vm1, $0x2, v19;
	v18 =	vsel vm0, $0x2, v18;
	vm0 =	vgt.f32 v15, v3  }
0xe9: {  	v21 =	vsel vm3, $0x2, v21;
	v22 =	vsel vm4, $0x2, v22;
	v20 =	vsel vm2, $0x2, v20  }
0xea: {  	vm1 =	vgt.f32 v16, v4;
	v23 =	vsel vm5, $0x2, v23;
	v17 =	vsel vm0, $0x2, v17  }
0xeb: {  	vm3 =	vgt.f32 v12, v4;
	vm2 =	vgt.f32 v11, v4;
	vm0 =	vgt.f32 v10, v4  }
0xec: {  	vm4 =	vgt.f32 v13, v4;
	vm6 =	vgt.f32 v15, v4;
	vm5 =	vgt.f32 v14, v4  }
0xed: {  	v18 =	vsel vm1, $0x5, v18;
	v20 =	vsel vm2, $0x5, v20;
	v19 =	vsel vm0, $0x5, v19  }
0xee: {  	v21 =	vsel vm3, $0x5, v21;
	v22 =	vsel vm4, $0x5, v22;
	v23 =	vsel vm5, $0x5, v23  }
0xef: {  	vm1 =	vgt.f32 v10, v5;
	vm0 =	vgt.f32 v16, v5;
	v17 =	vsel vm6, $0x5, v17  }
0xf0: {  	vm3 =	vgt.f32 v12, v5;
	vm4 =	vgt.f32 v13, v5;
	vm2 =	vgt.f32 v11, v5  }
0xf1: {  	vm5 =	vgt.f32 v15, v5;
	v18 =	vsel vm0, $0x4, v18;
	vm0 =	vgt.f32 v14, v5  }
0xf2: {  	v21 =	vsel vm3, $0x4, v21;
	v20 =	vsel vm2, $0x4, v20;
	v19 =	vsel vm1, $0x4, v19  }
0xf3: {  	v22 =	vsel vm4, $0x4, v22;
	v17 =	vsel vm5, $0x4, v17;
	v23 =	vsel vm0, $0x4, v23  }
0xf4: {  	vm2 =	vgt.f32 v11, v6;
	vm1 =	vgt.f32 v10, v6;
	vm0 =	vgt.f32 v16, v6  }
0xf5: {  	vm3 =	vgt.f32 v12, v6;
	vm4 =	vgt.f32 v13, v6;
	vm5 =	vgt.f32 v14, v6  }
0xf6: {  	v19 =	vsel vm1, $0x1, v19;
	v18 =	vsel vm0, $0x1, v18;
	vm0 =	vgt.f32 v15, v6  }
0xf7: {  	v21 =	vsel vm3, $0x1, v21;
	v22 =	vsel vm4, $0x1, v22;
	v20 =	vsel vm2, $0x1, v20  }
0xf8: {  	vm1 =	vgt.f32 v16, v7;
	v23 =	vsel vm5, $0x1, v23;
	v24 =	vsel vm0, $0x1, v17  }
0xf9: {  	vm3 =	vgt.f32 v12, v7;
	vm2 =	vgt.f32 v11, v7;
	vm0 =	vgt.f32 v10, v7  }
0xfa: {  	vm4 =	vgt.f32 v13, v7;
	vm6 =	vgt.f32 v15, v7;
	vm5 =	vgt.f32 v14, v7  }
0xfb: {  	v20 =	vsel vm2, $0x8, v20;
	v25 =	vsel vm1, $0x8, v18;
	v26 =	vsel vm0, $0x8, v19  }
.Ltmp3:
0xfc: {  	v27 =	vsel vm3, $0x8, v21;
	v17 =	vsel vm5, $0x8, v23;
	v19 =	vsel vm4, $0x8, v22;
	(pc) =	sbr.rel @p1 .LBB2_5-.Ltmp3, $4  }
0xfd: {  	vm3 =	vgt.f32 v10, v8;
	vm0 =	vgt.f32 v16, v8;
	v18 =	vsel vm6, $0x8, v24  }
0xfe: {  	vm5 =	vgt.f32 v12, v8;
	vm1 =	vgt.f32 v13, v8;
	vm4 =	vgt.f32 v11, v8  }
0xff: {  	vm2 =	vgt.f32 v14, v8;
	v21 =	vsel vm0, $0x6, v25;
	vm0 =	vgt.f32 v15, v8  }
0x100: {  	s24 =	sadd.s32 $0x80, s24;
	v23 =	vsel vm3, $0x6, v26;
	v22 =	vsel vm4, $0x6, v20;
	v20 =	vsel vm5, $0x6, v27  }
0x101: {  	vm3 =	vgt.f32 v16, v9  }
0x102: {  	vm4 =	vgt.f32 v10, v9;
	v10 =	vsel vm3, $0x5, v21  }
0x103: {  	vm11 =	vgt.f32 v11, v9;
	vm12 =	vgt.f32 v12, v9;
	v11 =	vsel vm4, $0x5, v23;
	[tilespmem:s22+$0xFFFFFFC0] =	vst v10  }
0x104: {  	v12 =	vsel vm12, $0x5, v20;
	[tilespmem:s22+$0xFFFFFFD0] =	vst v11  }
0x105: {  	vm13 =	vgt.f32 v13, v9;
	v10 =	vsel vm11, $0x5, v22;
	v11 =	vsel vm1, $0x6, v19;
	[tilespmem:s22+$0xFFFFFFF0] =	vst v12  }
.Ltmp4:
0x106: {  	vm14 =	vgt.f32 v14, v9;
	[tilespmem:s22+$0xFFFFFFE0] =	vst v10;
	v10 =	vsel vm2, $0x6, v17;
	v11 =	vsel vm13, $0x5, v11;
	(pc) =	sbr.rel @p0 .LBB2_8-.Ltmp4, $4  }
0x107: {  	v63 =	vsel vm0, $0x6, v18;
	vm15 =	vgt.f32 v15, v9;
	s23 =	sor.u32 s5, s21;
	v10 =	vsel vm14, $0x5, v10;
	[tilespmem:s22+$0x0] =	vst v11  }
0x108: {  	s23 =	sshrl.u32 s23, $0x3;
	v11 =	vsel vm15, $0x5, v63;
	[tilespmem:s22+$0x10] =	vst v10  }
0x109: {  	s31 =	sadd.s32 s6, s23;
	[tilespmem:s22+$0x20] =	vst v11  }
0x10a: {  	[hbm4b:s31+s4] =	stream.linear.scatter [tilespmem:s17], [sflag:$0x4], $0x4000, $0x38;
	[tilespmem:$0x10080] =	vst v63  }
.Ltmp5:
0x10b: {  	s21 =	sadd.s32 s21, s9;
	(pc) =	sbr.rel .LBB2_2-.Ltmp5, $4  }
0x10c: {  	s21 =	sshrl.u32 s21, $0x3  }
0x10d: {  	s21 =	sadd.s32 s2, s21  }
0x10e: {  	[tilespmem:s12], [sflag:$0x2] =	stream.linear.gather [hbm4b:s21+s4], $0x4000, $0x38;
	[tilespmem:$0x10080] =	vst v63  }
0x10f: {  	p0 =	por $0x1, $0x1;
	s21 =	simm.s32 $0x8000  }
.LBB2_9:
0x110: {  	_ =	sfence.sel $0x180000  }
0x111: {  	[bflag:$0x0] =	sbarrier.arrive $0xFFFF  }
0x112: {  	p0 =	sne.s32 s1, $0x0;
	_ =	strace $0x90000047  }
0x113: {  	s0 =	sadd.s32 @!p0 $0x100000, s0;
	[bflag:$0x2] =	sbarrier.arrive $0xFFFF  }
0x114: {  	[sflag:s0] =	ssyncadd.tile.s32 @!p0 $0x1;
	_ =	shalt  }
.Lfunc_end2:
_tile_overlayer_lowered:
.L_overlay_start_2:
0x115: {  	(tag) =	ssettag $0x2  }
0x116: {  	s0 =	rddreg [dreg:$0x0];
	s2 =	stileid.u32  }
0x117: {  	s1 =	rddreg [dreg:$0x1];
	p0 =	sne.s32 s2, $0x0  }
0x118: {  	s3 =	rddreg [dreg:$0x2];
	[bflag:$0x3] =	sbarrier.arrive $0xFFFF;
	s2 =	simm.s32 @!p0 $0x1C05  }
0x119: {  	[timem:s3], [sflag:s2] =	dma.local @!p0 [hbm:s0], s1  }
0x11a: {  	s0 =	simm.s32 @!p0 $0x5  }
0x11b: {  	_ =	swait.ge @!p0 [sflag:s0], s1  }
0x11c: {  	s1 =	ssub.s32 @!p0 $0x0, s1;
	[sflag:s0] =	ssyncset.done @!p0 $0x0  }
0x11d: {  	[sflag:s0] =	ssyncadd.s32 @!p0 s1  }
0x11e: {  	[bflag:$0x3] =	sbarrier.arrive $0xFFFF  }
0x11f: {  	_ =	shalt  }

</sc_bundles>
